<compile_context>
chip_gen: v7x
topology: tpu7x:2x2x1
jax: 0.10.2.dev20260603
libtpu: 0.0.44.dev20260713+nightly
codegen_flags: <defaults>
</compile_context>

<pallas_src>
import functools

import jax
import jax.numpy as jnp
from jax import lax
from jax.experimental import pallas as pl
from jax.experimental.pallas import tpu as pltpu
from jax.experimental.pallas import tpu_sc as plsc

N = 2048
NPAIR = N // 2
L = 16
NGRP = NPAIR // L
NC, NS = 2, 16
NW = NC * NS
ROWS = 2 * 8192
RPW = ROWS // NW
R = 8
NCHUNK = RPW // R


@functools.partial(
    pl.kernel,
    out_type=jax.ShapeDtypeStruct((ROWS, N), jnp.float32),
    mesh=plsc.VectorSubcoreMesh(
        core_axis_name="c", subcore_axis_name="s", num_cores=NC, num_subcores=NS
    ),
    scratch_types=[
        pltpu.VMEM((NPAIR,), jnp.int32),
        pltpu.VMEM((NPAIR,), jnp.int32),
        pltpu.VMEM((NPAIR,), jnp.int32),
        pltpu.VMEM((NPAIR,), jnp.int32),
        pltpu.VMEM((NPAIR,), jnp.float32),
        pltpu.VMEM((NPAIR,), jnp.float32),
        pltpu.VMEM((R, N), jnp.float32),
        pltpu.VMEM((R, N), jnp.float32),
        pltpu.VMEM((R, N), jnp.float32),
        pltpu.VMEM((R, N), jnp.float32),
        pltpu.SemaphoreType.DMA,
        pltpu.SemaphoreType.DMA,
        pltpu.SemaphoreType.DMA,
        pltpu.SemaphoreType.DMA,
    ],
    compiler_params=pltpu.CompilerParams(
        use_tc_tiling_on_sc=True, needs_layout_passes=False
    ),
)
def _rot_sc(x_hbm, p0_hbm, p1_hbm, o0_hbm, o1_hbm, c_hbm, s_hbm, out_hbm,
            p0_v, p1_v, o0_v, o1_v, c_v, s_v,
            in0, in1, ou0, ou1, si0, si1, so0, so1):
    wid = lax.axis_index("s") * NC + lax.axis_index("c")
    base = wid * RPW
    pltpu.async_copy(p0_hbm, p0_v, so0)
    pltpu.async_copy(p1_hbm, p1_v, so0)
    pltpu.async_copy(o0_hbm, o0_v, so0)
    pltpu.async_copy(o1_hbm, o1_v, so0)
    pltpu.async_copy(c_hbm, c_v, so0)
    pltpu.async_copy(s_hbm, s_v, so0)

    ins, outs = (in0, in1), (ou0, ou1)
    sins, souts = (si0, si1), (so0, so1)

    def in_slice(ci):
        return x_hbm.at[pl.ds(base + ci * R, R)]

    def out_slice(ci):
        return out_hbm.at[pl.ds(base + ci * R, R)]

    pltpu.async_copy(in_slice(0), in0, si0)
    pltpu.async_copy(in_slice(1), in1, si1)
    pltpu.make_async_copy(p0_hbm, p0_v, so0).wait()
    pltpu.make_async_copy(p1_hbm, p1_v, so0).wait()
    pltpu.make_async_copy(o0_hbm, o0_v, so0).wait()
    pltpu.make_async_copy(o1_hbm, o1_v, so0).wait()
    pltpu.make_async_copy(c_hbm, c_v, so0).wait()
    pltpu.make_async_copy(s_hbm, s_v, so0).wait()

    def compute_chunk(b_in, b_out):
        @plsc.parallel_loop(0, NGRP, step=1, unroll=3)
        def grp_body(g):
            gb = g * L
            p0 = p0_v[pl.ds(gb, L)]
            p1 = p1_v[pl.ds(gb, L)]
            o0 = o0_v[pl.ds(gb, L)]
            o1 = o1_v[pl.ds(gb, L)]
            cc = c_v[pl.ds(gb, L)]
            ss = s_v[pl.ds(gb, L)]
            xs = []
            for r in range(R):
                rr = jnp.full((L,), r, jnp.int32)
                xs.append((plsc.load_gather(b_in, [rr, p0]),
                           plsc.load_gather(b_in, [rr, p1])))
            for r in range(R):
                xi, xj = xs[r]
                rr = jnp.full((L,), r, jnp.int32)
                plsc.store_scatter(b_out, [rr, o0], cc * xi - ss * xj)
                plsc.store_scatter(b_out, [rr, o1], cc * xj + ss * xi)

    def pair_body(k, carry):
        for phase in range(2):
            ci = k * 2 + phase
            b_in, b_out = ins[phase], outs[phase]
            s_in, s_out = sins[phase], souts[phase]
            pltpu.make_async_copy(in_slice(ci), b_in, s_in).wait()

            @pl.when(k > 0)
            def _():
                pltpu.make_async_copy(b_out, out_slice(ci), s_out).wait()

            compute_chunk(b_in, b_out)
            pltpu.async_copy(b_out, out_slice(ci), s_out)

            @pl.when(ci + 2 < NCHUNK)
            def _():
                pltpu.async_copy(in_slice(ci + 2), b_in, s_in)
        return carry

    lax.fori_loop(0, NCHUNK // 2, pair_body, 0)
    pltpu.make_async_copy(ou0, out_slice(NCHUNK - 2), so0).wait()
    pltpu.make_async_copy(ou1, out_slice(NCHUNK - 1), so1).wait()


def kernel(inp, angles, pairs, outp_pairs):
    c = jnp.cos(angles)
    s = jnp.sin(angles)
    x = inp.reshape(ROWS, N)
    out = _rot_sc(
        x,
        pairs[:, 0], pairs[:, 1],
        outp_pairs[:, 0], outp_pairs[:, 1],
        c, s,
    )
    return out.reshape(inp.shape)

# --- scband reference (transcript-rebuilt; emitter-appended) ---
"""Pipeline reference for scband-rotational-12232066859560 (READ-ONLY COPY).

The authoritative reference and input builder live on the scoring server;
editing this copy changes nothing except your own understanding.
"""

import jax, jax.numpy as jnp
import numpy as np

NODES = 2048
BATCH = 2
SEQ = 8192


def setup_inputs(seed: int = 0) -> dict:
    key = jax.random.key(seed)
    k1, k2, k3, k4 = jax.random.split(key, 4)
    inp = jax.random.normal(k1, (BATCH, SEQ, NODES), dtype=jnp.float32)
    angles = jax.random.normal(k2, (NODES // 2,), dtype=jnp.float32)
    pairs = jax.random.permutation(k3, NODES).reshape(-1, 2).astype(jnp.int32)
    outp_pairs = jax.random.permutation(k4, NODES).reshape(-1, 2).astype(jnp.int32)
    return {"inp": inp, "angles": angles, "pairs": pairs, "outp_pairs": outp_pairs}


def reference(inp, angles, pairs, outp_pairs):
    c = jnp.cos(angles)
    s = jnp.sin(angles)
    xi = inp[..., pairs[:, 0]]
    xj = inp[..., pairs[:, 1]]
    yi = c * xi - s * xj
    yj = c * xj + s * xi
    outp = inp
    outp = outp.at[..., outp_pairs[:, 0]].set(yi)
    outp = outp.at[..., outp_pairs[:, 1]].set(yj)
    return outp

if __name__ == "__main__":
    import jax
    _d = setup_inputs()
    print(jax.jit(kernel)(*tuple(_d.values())))

</pallas_src>

<mosaic_0001>
#map = affine_map<(d0, d1) -> (0, 0)>
#map1 = affine_map<(d0, d1) -> (0)>
module attributes {stable_mosaic.version = 14 : i64} {
  func.func @_rot_sc(%arg0: i32, %arg1: i32, %arg2: memref<16384x2048xf32, #tpu.memory_space<hbm>>, %arg3: memref<1024xi32, #tpu.memory_space<hbm>>, %arg4: memref<1024xi32, #tpu.memory_space<hbm>>, %arg5: memref<1024xi32, #tpu.memory_space<hbm>>, %arg6: memref<1024xi32, #tpu.memory_space<hbm>>, %arg7: memref<1024xf32, #tpu.memory_space<hbm>>, %arg8: memref<1024xf32, #tpu.memory_space<hbm>>, %arg9: memref<16384x2048xf32, #tpu.memory_space<hbm>>, %arg10: memref<1024xi32, #tpu.memory_space<vmem>>, %arg11: memref<1024xi32, #tpu.memory_space<vmem>>, %arg12: memref<1024xi32, #tpu.memory_space<vmem>>, %arg13: memref<1024xi32, #tpu.memory_space<vmem>>, %arg14: memref<1024xf32, #tpu.memory_space<vmem>>, %arg15: memref<1024xf32, #tpu.memory_space<vmem>>, %arg16: memref<8x2048xf32, #tpu.memory_space<vmem>>, %arg17: memref<8x2048xf32, #tpu.memory_space<vmem>>, %arg18: memref<8x2048xf32, #tpu.memory_space<vmem>>, %arg19: memref<8x2048xf32, #tpu.memory_space<vmem>>, %arg20: memref<!tpu.dma_semaphore, #tpu.memory_space<semaphore_mem>>, %arg21: memref<!tpu.dma_semaphore, #tpu.memory_space<semaphore_mem>>, %arg22: memref<!tpu.dma_semaphore, #tpu.memory_space<semaphore_mem>>, %arg23: memref<!tpu.dma_semaphore, #tpu.memory_space<semaphore_mem>>) attributes {dimension_semantics = [#tpu.dimension_semantics<core_parallel>, #tpu.dimension_semantics<subcore_parallel>], iteration_bounds = array<i64: 2, 16>, scalar_prefetch = 0 : i64, scratch_operands = 14 : i64, tpu.core_type = #tpu.core_type<sc_vector_subcore>, window_params = [{transform_indices = #map}, {transform_indices = #map1}, {transform_indices = #map1}, {transform_indices = #map1}, {transform_indices = #map1}, {transform_indices = #map1}, {transform_indices = #map1}, {transform_indices = #map}]} {
    %mul3A = arith.constant 2 : i32
    %mul3A_0 = arith.muli %arg1, %mul3A : i32
    %add3A = arith.addi %mul3A_0, %arg0 : i32
    %mul3A_1 = arith.constant 512 : i32
    %mul3A_2 = arith.muli %add3A, %mul3A_1 : i32
    tpu.enqueue_dma source(%arg3 : memref<1024xi32, #tpu.memory_space<hbm>>) target(%arg10 : memref<1024xi32, #tpu.memory_space<vmem>>) target_semaphore(%arg22 : memref<!tpu.dma_semaphore, #tpu.memory_space<semaphore_mem>>)
    tpu.enqueue_dma source(%arg4 : memref<1024xi32, #tpu.memory_space<hbm>>) target(%arg11 : memref<1024xi32, #tpu.memory_space<vmem>>) target_semaphore(%arg22 : memref<!tpu.dma_semaphore, #tpu.memory_space<semaphore_mem>>)
    tpu.enqueue_dma source(%arg5 : memref<1024xi32, #tpu.memory_space<hbm>>) target(%arg12 : memref<1024xi32, #tpu.memory_space<vmem>>) target_semaphore(%arg22 : memref<!tpu.dma_semaphore, #tpu.memory_space<semaphore_mem>>)
    tpu.enqueue_dma source(%arg6 : memref<1024xi32, #tpu.memory_space<hbm>>) target(%arg13 : memref<1024xi32, #tpu.memory_space<vmem>>) target_semaphore(%arg22 : memref<!tpu.dma_semaphore, #tpu.memory_space<semaphore_mem>>)
    tpu.enqueue_dma source(%arg7 : memref<1024xf32, #tpu.memory_space<hbm>>) target(%arg14 : memref<1024xf32, #tpu.memory_space<vmem>>) target_semaphore(%arg22 : memref<!tpu.dma_semaphore, #tpu.memory_space<semaphore_mem>>)
    tpu.enqueue_dma source(%arg8 : memref<1024xf32, #tpu.memory_space<hbm>>) target(%arg15 : memref<1024xf32, #tpu.memory_space<vmem>>) target_semaphore(%arg22 : memref<!tpu.dma_semaphore, #tpu.memory_space<semaphore_mem>>)
    %add3A_3 = arith.constant 0 : i32
    %add3A_4 = arith.addi %mul3A_2, %add3A_3 : i32
    %dma_start3A = arith.constant 0 : i32
    %dma_start3A_5 = tpu.memref_slice %arg2[%add3A_4, %dma_start3A] : memref<16384x2048xf32, #tpu.memory_space<hbm>> -> memref<8x2048xf32, #tpu.memory_space<hbm>>
    %dma_start3A_6 = arith.constant 0 : i32
    %dma_start3A_7 = tpu.memref_slice %arg2[%add3A_4, %dma_start3A_6] : memref<16384x2048xf32, #tpu.memory_space<hbm>> -> memref<8x2048xf32, #tpu.memory_space<hbm>>
    tpu.enqueue_dma source(%dma_start3A_7 : memref<8x2048xf32, #tpu.memory_space<hbm>>) target(%arg16 : memref<8x2048xf32, #tpu.memory_space<vmem>>) target_semaphore(%arg20 : memref<!tpu.dma_semaphore, #tpu.memory_space<semaphore_mem>>)
    %add3A_8 = arith.constant 8 : i32
    %add3A_9 = arith.addi %mul3A_2, %add3A_8 : i32
    %dma_start3A_10 = arith.constant 0 : i32
    %dma_start3A_11 = tpu.memref_slice %arg2[%add3A_9, %dma_start3A_10] : memref<16384x2048xf32, #tpu.memory_space<hbm>> -> memref<8x2048xf32, #tpu.memory_space<hbm>>
    %dma_start3A_12 = arith.constant 0 : i32
    %dma_start3A_13 = tpu.memref_slice %arg2[%add3A_9, %dma_start3A_12] : memref<16384x2048xf32, #tpu.memory_space<hbm>> -> memref<8x2048xf32, #tpu.memory_space<hbm>>
    tpu.enqueue_dma source(%dma_start3A_13 : memref<8x2048xf32, #tpu.memory_space<hbm>>) target(%arg17 : memref<8x2048xf32, #tpu.memory_space<vmem>>) target_semaphore(%arg21 : memref<!tpu.dma_semaphore, #tpu.memory_space<semaphore_mem>>)
    tpu.wait_dma2 semaphore(%arg22 : memref<!tpu.dma_semaphore, #tpu.memory_space<semaphore_mem>>) src(%arg3 : memref<1024xi32, #tpu.memory_space<hbm>>) dst(%arg10 : memref<1024xi32, #tpu.memory_space<vmem>>)
    tpu.wait_dma2 semaphore(%arg22 : memref<!tpu.dma_semaphore, #tpu.memory_space<semaphore_mem>>) src(%arg4 : memref<1024xi32, #tpu.memory_space<hbm>>) dst(%arg11 : memref<1024xi32, #tpu.memory_space<vmem>>)
    tpu.wait_dma2 semaphore(%arg22 : memref<!tpu.dma_semaphore, #tpu.memory_space<semaphore_mem>>) src(%arg5 : memref<1024xi32, #tpu.memory_space<hbm>>) dst(%arg12 : memref<1024xi32, #tpu.memory_space<vmem>>)
    tpu.wait_dma2 semaphore(%arg22 : memref<!tpu.dma_semaphore, #tpu.memory_space<semaphore_mem>>) src(%arg6 : memref<1024xi32, #tpu.memory_space<hbm>>) dst(%arg13 : memref<1024xi32, #tpu.memory_space<vmem>>)
    tpu.wait_dma2 semaphore(%arg22 : memref<!tpu.dma_semaphore, #tpu.memory_space<semaphore_mem>>) src(%arg7 : memref<1024xf32, #tpu.memory_space<hbm>>) dst(%arg14 : memref<1024xf32, #tpu.memory_space<vmem>>)
    tpu.wait_dma2 semaphore(%arg22 : memref<!tpu.dma_semaphore, #tpu.memory_space<semaphore_mem>>) src(%arg8 : memref<1024xf32, #tpu.memory_space<hbm>>) dst(%arg15 : memref<1024xf32, #tpu.memory_space<vmem>>)
    %scan3A = arith.constant 0 : i32
    %scan3A_14 = arith.constant 0 : i32
    %scan3A_15 = arith.constant 32 : i32
    %scan3A_16 = arith.addi %scan3A_14, %scan3A_15 : i32
    %scan3A_17 = arith.constant 1 : i32
    scf.for %scan3A_30 = %scan3A_14 to %scan3A_16 step %scan3A_17  : i32 {
      %mul3A_31 = arith.constant 2 : i32
      %mul3A_32 = arith.muli %scan3A_30, %mul3A_31 : i32
      %add3A_33 = arith.constant 0 : i32
      %add3A_34 = arith.addi %mul3A_32, %add3A_33 : i32
      %mul3A_35 = arith.constant 8 : i32
      %mul3A_36 = arith.muli %add3A_34, %mul3A_35 : i32
      %add3A_37 = arith.addi %mul3A_2, %mul3A_36 : i32
      %dma_wait3A_38 = arith.constant 0 : i32
      %dma_wait3A_39 = tpu.memref_slice %arg2[%add3A_37, %dma_wait3A_38] : memref<16384x2048xf32, #tpu.memory_space<hbm>> -> memref<8x2048xf32, #tpu.memory_space<hbm>>
      %dma_wait3A_40 = arith.constant 0 : i32
      %dma_wait3A_41 = tpu.memref_slice %arg2[%add3A_37, %dma_wait3A_40] : memref<16384x2048xf32, #tpu.memory_space<hbm>> -> memref<8x2048xf32, #tpu.memory_space<hbm>>
      tpu.wait_dma2 semaphore(%arg20 : memref<!tpu.dma_semaphore, #tpu.memory_space<semaphore_mem>>) src(%dma_wait3A_41 : memref<8x2048xf32, #tpu.memory_space<hbm>>) dst(%arg16 : memref<8x2048xf32, #tpu.memory_space<vmem>>)
      %gt3A = arith.constant 0 : i32
      %gt3A_42 = arith.cmpi sgt, %scan3A_30, %gt3A : i32
      %convert_element_type3A = arith.extui %gt3A_42 : i1 to i32
      %cond3A = arith.constant 0 : i32
      %cond3A_43 = arith.cmpi ne, %convert_element_type3A, %cond3A : i32
      scf.if %cond3A_43 {
        %mul3A_92 = arith.constant 8 : i32
        %mul3A_93 = arith.muli %add3A_34, %mul3A_92 : i32
        %add3A_94 = arith.addi %mul3A_2, %mul3A_93 : i32
        %dma_wait3A_95 = arith.constant 0 : i32
        %dma_wait3A_96 = tpu.memref_slice %arg9[%add3A_94, %dma_wait3A_95] : memref<16384x2048xf32, #tpu.memory_space<hbm>> -> memref<8x2048xf32, #tpu.memory_space<hbm>>
        %dma_wait3A_97 = arith.constant 0 : i32
        %dma_wait3A_98 = tpu.memref_slice %arg9[%add3A_94, %dma_wait3A_97] : memref<16384x2048xf32, #tpu.memory_space<hbm>> -> memref<8x2048xf32, #tpu.memory_space<hbm>>
        tpu.wait_dma2 semaphore(%arg22 : memref<!tpu.dma_semaphore, #tpu.memory_space<semaphore_mem>>) src(%arg18 : memref<8x2048xf32, #tpu.memory_space<vmem>>) dst(%dma_wait3A_98 : memref<8x2048xf32, #tpu.memory_space<hbm>>)
      } else {
      }
      %parallel_loop3A = arith.constant 0 : i32
      %parallel_loop3A_44 = arith.constant 64 : i32
      %parallel_loop3A_45 = arith.constant 1 : i32
      scf.for %parallel_loop3A_92 = %parallel_loop3A to %parallel_loop3A_44 step %parallel_loop3A_45  : i32 {
        %parallel_loop3A_93 = arith.constant 16 : i32
        %parallel_loop3A_94 = arith.muli %parallel_loop3A_92, %parallel_loop3A_93 : i32
        %parallel_loop3A_95 = arith.index_cast %parallel_loop3A_94 : i32 to index
        %parallel_loop3A_96 = tpu.vector_load %arg10[%parallel_loop3A_95] {strides = array<i32>} : memref<1024xi32, #tpu.memory_space<vmem>>, vector<16xi32>,
        %parallel_loop3A_97 = arith.index_cast %parallel_loop3A_94 : i32 to index
        %parallel_loop3A_98 = tpu.vector_load %arg11[%parallel_loop3A_97] {strides = array<i32>} : memref<1024xi32, #tpu.memory_space<vmem>>, vector<16xi32>,
        %parallel_loop3A_99 = arith.index_cast %parallel_loop3A_94 : i32 to index
        %parallel_loop3A_100 = tpu.vector_load %arg12[%parallel_loop3A_99] {strides = array<i32>} : memref<1024xi32, #tpu.memory_space<vmem>>, vector<16xi32>,
        %parallel_loop3A_101 = arith.index_cast %parallel_loop3A_94 : i32 to index
        %parallel_loop3A_102 = tpu.vector_load %arg13[%parallel_loop3A_101] {strides = array<i32>} : memref<1024xi32, #tpu.memory_space<vmem>>, vector<16xi32>,
        %parallel_loop3A_103 = arith.index_cast %parallel_loop3A_94 : i32 to index
        %parallel_loop3A_104 = tpu.vector_load %arg14[%parallel_loop3A_103] {strides = array<i32>} : memref<1024xf32, #tpu.memory_space<vmem>>, vector<16xf32>,
        %parallel_loop3A_105 = arith.index_cast %parallel_loop3A_94 : i32 to index
        %parallel_loop3A_106 = tpu.vector_load %arg15[%parallel_loop3A_105] {strides = array<i32>} : memref<1024xf32, #tpu.memory_space<vmem>>, vector<16xf32>,
        %parallel_loop3A_107 = arith.constant 0 : i32
        %parallel_loop3A_108 = vector.broadcast %parallel_loop3A_107 : i32 to vector<16xi32>
        %parallel_loop3A_109 = tpu.vector_load_idx %arg16[%parallel_loop3A_108, %parallel_loop3A_96] : memref<8x2048xf32, #tpu.memory_space<vmem>>[vector<16xi32>, vector<16xi32>], vector<16xf32>,
        %parallel_loop3A_110 = tpu.vector_load_idx %arg16[%parallel_loop3A_108, %parallel_loop3A_98] : memref<8x2048xf32, #tpu.memory_space<vmem>>[vector<16xi32>, vector<16xi32>], vector<16xf32>,
        %parallel_loop3A_111 = arith.constant 1 : i32
        %parallel_loop3A_112 = vector.broadcast %parallel_loop3A_111 : i32 to vector<16xi32>
        %parallel_loop3A_113 = tpu.vector_load_idx %arg16[%parallel_loop3A_112, %parallel_loop3A_96] : memref<8x2048xf32, #tpu.memory_space<vmem>>[vector<16xi32>, vector<16xi32>], vector<16xf32>,
        %parallel_loop3A_114 = tpu.vector_load_idx %arg16[%parallel_loop3A_112, %parallel_loop3A_98] : memref<8x2048xf32, #tpu.memory_space<vmem>>[vector<16xi32>, vector<16xi32>], vector<16xf32>,
        %parallel_loop3A_115 = arith.constant 2 : i32
        %parallel_loop3A_116 = vector.broadcast %parallel_loop3A_115 : i32 to vector<16xi32>
        %parallel_loop3A_117 = tpu.vector_load_idx %arg16[%parallel_loop3A_116, %parallel_loop3A_96] : memref<8x2048xf32, #tpu.memory_space<vmem>>[vector<16xi32>, vector<16xi32>], vector<16xf32>,
        %parallel_loop3A_118 = tpu.vector_load_idx %arg16[%parallel_loop3A_116, %parallel_loop3A_98] : memref<8x2048xf32, #tpu.memory_space<vmem>>[vector<16xi32>, vector<16xi32>], vector<16xf32>,
        %parallel_loop3A_119 = arith.constant 3 : i32
        %parallel_loop3A_120 = vector.broadcast %parallel_loop3A_119 : i32 to vector<16xi32>
        %parallel_loop3A_121 = tpu.vector_load_idx %arg16[%parallel_loop3A_120, %parallel_loop3A_96] : memref<8x2048xf32, #tpu.memory_space<vmem>>[vector<16xi32>, vector<16xi32>], vector<16xf32>,
        %parallel_loop3A_122 = tpu.vector_load_idx %arg16[%parallel_loop3A_120, %parallel_loop3A_98] : memref<8x2048xf32, #tpu.memory_space<vmem>>[vector<16xi32>, vector<16xi32>], vector<16xf32>,
        %parallel_loop3A_123 = arith.constant 4 : i32
        %parallel_loop3A_124 = vector.broadcast %parallel_loop3A_123 : i32 to vector<16xi32>
        %parallel_loop3A_125 = tpu.vector_load_idx %arg16[%parallel_loop3A_124, %parallel_loop3A_96] : memref<8x2048xf32, #tpu.memory_space<vmem>>[vector<16xi32>, vector<16xi32>], vector<16xf32>,
        %parallel_loop3A_126 = tpu.vector_load_idx %arg16[%parallel_loop3A_124, %parallel_loop3A_98] : memref<8x2048xf32, #tpu.memory_space<vmem>>[vector<16xi32>, vector<16xi32>], vector<16xf32>,
        %parallel_loop3A_127 = arith.constant 5 : i32
        %parallel_loop3A_128 = vector.broadcast %parallel_loop3A_127 : i32 to vector<16xi32>
        %parallel_loop3A_129 = tpu.vector_load_idx %arg16[%parallel_loop3A_128, %parallel_loop3A_96] : memref<8x2048xf32, #tpu.memory_space<vmem>>[vector<16xi32>, vector<16xi32>], vector<16xf32>,
        %parallel_loop3A_130 = tpu.vector_load_idx %arg16[%parallel_loop3A_128, %parallel_loop3A_98] : memref<8x2048xf32, #tpu.memory_space<vmem>>[vector<16xi32>, vector<16xi32>], vector<16xf32>,
        %parallel_loop3A_131 = arith.constant 6 : i32
        %parallel_loop3A_132 = vector.broadcast %parallel_loop3A_131 : i32 to vector<16xi32>
        %parallel_loop3A_133 = tpu.vector_load_idx %arg16[%parallel_loop3A_132, %parallel_loop3A_96] : memref<8x2048xf32, #tpu.memory_space<vmem>>[vector<16xi32>, vector<16xi32>], vector<16xf32>,
        %parallel_loop3A_134 = tpu.vector_load_idx %arg16[%parallel_loop3A_132, %parallel_loop3A_98] : memref<8x2048xf32, #tpu.memory_space<vmem>>[vector<16xi32>, vector<16xi32>], vector<16xf32>,
        %parallel_loop3A_135 = arith.constant 7 : i32
        %parallel_loop3A_136 = vector.broadcast %parallel_loop3A_135 : i32 to vector<16xi32>
        %parallel_loop3A_137 = tpu.vector_load_idx %arg16[%parallel_loop3A_136, %parallel_loop3A_96] : memref<8x2048xf32, #tpu.memory_space<vmem>>[vector<16xi32>, vector<16xi32>], vector<16xf32>,
        %parallel_loop3A_138 = tpu.vector_load_idx %arg16[%parallel_loop3A_136, %parallel_loop3A_98] : memref<8x2048xf32, #tpu.memory_space<vmem>>[vector<16xi32>, vector<16xi32>], vector<16xf32>,
        %parallel_loop3A_139 = arith.constant 0 : i32
        %parallel_loop3A_140 = vector.broadcast %parallel_loop3A_139 : i32 to vector<16xi32>
        %parallel_loop3A_141 = arith.mulf %parallel_loop3A_104, %parallel_loop3A_109 : vector<16xf32>
        %parallel_loop3A_142 = arith.mulf %parallel_loop3A_106, %parallel_loop3A_110 : vector<16xf32>
        %parallel_loop3A_143 = arith.subf %parallel_loop3A_141, %parallel_loop3A_142 : vector<16xf32>
        tpu.vector_store_idx %arg18[%parallel_loop3A_140, %parallel_loop3A_100], %parallel_loop3A_143 : memref<8x2048xf32, #tpu.memory_space<vmem>>[vector<16xi32>, vector<16xi32>], vector<16xf32>,
        %parallel_loop3A_144 = arith.mulf %parallel_loop3A_104, %parallel_loop3A_110 : vector<16xf32>
        %parallel_loop3A_145 = arith.mulf %parallel_loop3A_106, %parallel_loop3A_109 : vector<16xf32>
        %parallel_loop3A_146 = arith.addf %parallel_loop3A_144, %parallel_loop3A_145 : vector<16xf32>
        tpu.vector_store_idx %arg18[%parallel_loop3A_140, %parallel_loop3A_102], %parallel_loop3A_146 : memref<8x2048xf32, #tpu.memory_space<vmem>>[vector<16xi32>, vector<16xi32>], vector<16xf32>,
        %parallel_loop3A_147 = arith.constant 1 : i32
        %parallel_loop3A_148 = vector.broadcast %parallel_loop3A_147 : i32 to vector<16xi32>
        %parallel_loop3A_149 = arith.mulf %parallel_loop3A_104, %parallel_loop3A_113 : vector<16xf32>
        %parallel_loop3A_150 = arith.mulf %parallel_loop3A_106, %parallel_loop3A_114 : vector<16xf32>
        %parallel_loop3A_151 = arith.subf %parallel_loop3A_149, %parallel_loop3A_150 : vector<16xf32>
        tpu.vector_store_idx %arg18[%parallel_loop3A_148, %parallel_loop3A_100], %parallel_loop3A_151 : memref<8x2048xf32, #tpu.memory_space<vmem>>[vector<16xi32>, vector<16xi32>], vector<16xf32>,
        %parallel_loop3A_152 = arith.mulf %parallel_loop3A_104, %parallel_loop3A_114 : vector<16xf32>
        %parallel_loop3A_153 = arith.mulf %parallel_loop3A_106, %parallel_loop3A_113 : vector<16xf32>
        %parallel_loop3A_154 = arith.addf %parallel_loop3A_152, %parallel_loop3A_153 : vector<16xf32>
        tpu.vector_store_idx %arg18[%parallel_loop3A_148, %parallel_loop3A_102], %parallel_loop3A_154 : memref<8x2048xf32, #tpu.memory_space<vmem>>[vector<16xi32>, vector<16xi32>], vector<16xf32>,
        %parallel_loop3A_155 = arith.constant 2 : i32
        %parallel_loop3A_156 = vector.broadcast %parallel_loop3A_155 : i32 to vector<16xi32>
        %parallel_loop3A_157 = arith.mulf %parallel_loop3A_104, %parallel_loop3A_117 : vector<16xf32>
        %parallel_loop3A_158 = arith.mulf %parallel_loop3A_106, %parallel_loop3A_118 : vector<16xf32>
        %parallel_loop3A_159 = arith.subf %parallel_loop3A_157, %parallel_loop3A_158 : vector<16xf32>
        tpu.vector_store_idx %arg18[%parallel_loop3A_156, %parallel_loop3A_100], %parallel_loop3A_159 : memref<8x2048xf32, #tpu.memory_space<vmem>>[vector<16xi32>, vector<16xi32>], vector<16xf32>,
        %parallel_loop3A_160 = arith.mulf %parallel_loop3A_104, %parallel_loop3A_118 : vector<16xf32>
        %parallel_loop3A_161 = arith.mulf %parallel_loop3A_106, %parallel_loop3A_117 : vector<16xf32>
        %parallel_loop3A_162 = arith.addf %parallel_loop3A_160, %parallel_loop3A_161 : vector<16xf32>
        tpu.vector_store_idx %arg18[%parallel_loop3A_156, %parallel_loop3A_102], %parallel_loop3A_162 : memref<8x2048xf32, #tpu.memory_space<vmem>>[vector<16xi32>, vector<16xi32>], vector<16xf32>,
        %parallel_loop3A_163 = arith.constant 3 : i32
        %parallel_loop3A_164 = vector.broadcast %parallel_loop3A_163 : i32 to vector<16xi32>
        %parallel_loop3A_165 = arith.mulf %parallel_loop3A_104, %parallel_loop3A_121 : vector<16xf32>
        %parallel_loop3A_166 = arith.mulf %parallel_loop3A_106, %parallel_loop3A_122 : vector<16xf32>
        %parallel_loop3A_167 = arith.subf %parallel_loop3A_165, %parallel_loop3A_166 : vector<16xf32>
        tpu.vector_store_idx %arg18[%parallel_loop3A_164, %parallel_loop3A_100], %parallel_loop3A_167 : memref<8x2048xf32, #tpu.memory_space<vmem>>[vector<16xi32>, vector<16xi32>], vector<16xf32>,
        %parallel_loop3A_168 = arith.mulf %parallel_loop3A_104, %parallel_loop3A_122 : vector<16xf32>
        %parallel_loop3A_169 = arith.mulf %parallel_loop3A_106, %parallel_loop3A_121 : vector<16xf32>
        %parallel_loop3A_170 = arith.addf %parallel_loop3A_168, %parallel_loop3A_169 : vector<16xf32>
        tpu.vector_store_idx %arg18[%parallel_loop3A_164, %parallel_loop3A_102], %parallel_loop3A_170 : memref<8x2048xf32, #tpu.memory_space<vmem>>[vector<16xi32>, vector<16xi32>], vector<16xf32>,
        %parallel_loop3A_171 = arith.constant 4 : i32
        %parallel_loop3A_172 = vector.broadcast %parallel_loop3A_171 : i32 to vector<16xi32>
        %parallel_loop3A_173 = arith.mulf %parallel_loop3A_104, %parallel_loop3A_125 : vector<16xf32>
        %parallel_loop3A_174 = arith.mulf %parallel_loop3A_106, %parallel_loop3A_126 : vector<16xf32>
        %parallel_loop3A_175 = arith.subf %parallel_loop3A_173, %parallel_loop3A_174 : vector<16xf32>
        tpu.vector_store_idx %arg18[%parallel_loop3A_172, %parallel_loop3A_100], %parallel_loop3A_175 : memref<8x2048xf32, #tpu.memory_space<vmem>>[vector<16xi32>, vector<16xi32>], vector<16xf32>,
        %parallel_loop3A_176 = arith.mulf %parallel_loop3A_104, %parallel_loop3A_126 : vector<16xf32>
        %parallel_loop3A_177 = arith.mulf %parallel_loop3A_106, %parallel_loop3A_125 : vector<16xf32>
        %parallel_loop3A_178 = arith.addf %parallel_loop3A_176, %parallel_loop3A_177 : vector<16xf32>
        tpu.vector_store_idx %arg18[%parallel_loop3A_172, %parallel_loop3A_102], %parallel_loop3A_178 : memref<8x2048xf32, #tpu.memory_space<vmem>>[vector<16xi32>, vector<16xi32>], vector<16xf32>,
        %parallel_loop3A_179 = arith.constant 5 : i32
        %parallel_loop3A_180 = vector.broadcast %parallel_loop3A_179 : i32 to vector<16xi32>
        %parallel_loop3A_181 = arith.mulf %parallel_loop3A_104, %parallel_loop3A_129 : vector<16xf32>
        %parallel_loop3A_182 = arith.mulf %parallel_loop3A_106, %parallel_loop3A_130 : vector<16xf32>
        %parallel_loop3A_183 = arith.subf %parallel_loop3A_181, %parallel_loop3A_182 : vector<16xf32>
        tpu.vector_store_idx %arg18[%parallel_loop3A_180, %parallel_loop3A_100], %parallel_loop3A_183 : memref<8x2048xf32, #tpu.memory_space<vmem>>[vector<16xi32>, vector<16xi32>], vector<16xf32>,
        %parallel_loop3A_184 = arith.mulf %parallel_loop3A_104, %parallel_loop3A_130 : vector<16xf32>
        %parallel_loop3A_185 = arith.mulf %parallel_loop3A_106, %parallel_loop3A_129 : vector<16xf32>
        %parallel_loop3A_186 = arith.addf %parallel_loop3A_184, %parallel_loop3A_185 : vector<16xf32>
        tpu.vector_store_idx %arg18[%parallel_loop3A_180, %parallel_loop3A_102], %parallel_loop3A_186 : memref<8x2048xf32, #tpu.memory_space<vmem>>[vector<16xi32>, vector<16xi32>], vector<16xf32>,
        %parallel_loop3A_187 = arith.constant 6 : i32
        %parallel_loop3A_188 = vector.broadcast %parallel_loop3A_187 : i32 to vector<16xi32>
        %parallel_loop3A_189 = arith.mulf %parallel_loop3A_104, %parallel_loop3A_133 : vector<16xf32>
        %parallel_loop3A_190 = arith.mulf %parallel_loop3A_106, %parallel_loop3A_134 : vector<16xf32>
        %parallel_loop3A_191 = arith.subf %parallel_loop3A_189, %parallel_loop3A_190 : vector<16xf32>
        tpu.vector_store_idx %arg18[%parallel_loop3A_188, %parallel_loop3A_100], %parallel_loop3A_191 : memref<8x2048xf32, #tpu.memory_space<vmem>>[vector<16xi32>, vector<16xi32>], vector<16xf32>,
        %parallel_loop3A_192 = arith.mulf %parallel_loop3A_104, %parallel_loop3A_134 : vector<16xf32>
        %parallel_loop3A_193 = arith.mulf %parallel_loop3A_106, %parallel_loop3A_133 : vector<16xf32>
        %parallel_loop3A_194 = arith.addf %parallel_loop3A_192, %parallel_loop3A_193 : vector<16xf32>
        tpu.vector_store_idx %arg18[%parallel_loop3A_188, %parallel_loop3A_102], %parallel_loop3A_194 : memref<8x2048xf32, #tpu.memory_space<vmem>>[vector<16xi32>, vector<16xi32>], vector<16xf32>,
        %parallel_loop3A_195 = arith.constant 7 : i32
        %parallel_loop3A_196 = vector.broadcast %parallel_loop3A_195 : i32 to vector<16xi32>
        %parallel_loop3A_197 = arith.mulf %parallel_loop3A_104, %parallel_loop3A_137 : vector<16xf32>
        %parallel_loop3A_198 = arith.mulf %parallel_loop3A_106, %parallel_loop3A_138 : vector<16xf32>
        %parallel_loop3A_199 = arith.subf %parallel_loop3A_197, %parallel_loop3A_198 : vector<16xf32>
        tpu.vector_store_idx %arg18[%parallel_loop3A_196, %parallel_loop3A_100], %parallel_loop3A_199 : memref<8x2048xf32, #tpu.memory_space<vmem>>[vector<16xi32>, vector<16xi32>], vector<16xf32>,
        %parallel_loop3A_200 = arith.mulf %parallel_loop3A_104, %parallel_loop3A_138 : vector<16xf32>
        %parallel_loop3A_201 = arith.mulf %parallel_loop3A_106, %parallel_loop3A_137 : vector<16xf32>
        %parallel_loop3A_202 = arith.addf %parallel_loop3A_200, %parallel_loop3A_201 : vector<16xf32>
        tpu.vector_store_idx %arg18[%parallel_loop3A_196, %parallel_loop3A_102], %parallel_loop3A_202 : memref<8x2048xf32, #tpu.memory_space<vmem>>[vector<16xi32>, vector<16xi32>], vector<16xf32>,
      } {sc.loop_unroll_factor = 3 : i64, sc.parallel_access}
      %mul3A_46 = arith.constant 8 : i32
      %mul3A_47 = arith.muli %add3A_34, %mul3A_46 : i32
      %add3A_48 = arith.addi %mul3A_2, %mul3A_47 : i32
      %dma_start3A_49 = arith.constant 0 : i32
      %dma_start3A_50 = tpu.memref_slice %arg9[%add3A_48, %dma_start3A_49] : memref<16384x2048xf32, #tpu.memory_space<hbm>> -> memref<8x2048xf32, #tpu.memory_space<hbm>>
      %dma_start3A_51 = arith.constant 0 : i32
      %dma_start3A_52 = tpu.memref_slice %arg9[%add3A_48, %dma_start3A_51] : memref<16384x2048xf32, #tpu.memory_space<hbm>> -> memref<8x2048xf32, #tpu.memory_space<hbm>>
      tpu.enqueue_dma source(%arg18 : memref<8x2048xf32, #tpu.memory_space<vmem>>) target(%dma_start3A_52 : memref<8x2048xf32, #tpu.memory_space<hbm>>) target_semaphore(%arg22 : memref<!tpu.dma_semaphore, #tpu.memory_space<semaphore_mem>>)
      %add3A_53 = arith.constant 2 : i32
      %add3A_54 = arith.addi %add3A_34, %add3A_53 : i32
      %lt3A = arith.constant 64 : i32
      %lt3A_55 = arith.cmpi slt, %add3A_54, %lt3A : i32
      %convert_element_type3A_56 = arith.extui %lt3A_55 : i1 to i32
      %cond3A_57 = arith.constant 0 : i32
      %cond3A_58 = arith.cmpi ne, %convert_element_type3A_56, %cond3A_57 : i32
      scf.if %cond3A_58 {
        %add3A_92 = arith.constant 2 : i32
        %add3A_93 = arith.addi %add3A_34, %add3A_92 : i32
        %mul3A_94 = arith.constant 8 : i32
        %mul3A_95 = arith.muli %add3A_93, %mul3A_94 : i32
        %add3A_96 = arith.addi %mul3A_2, %mul3A_95 : i32
        %dma_start3A_97 = arith.constant 0 : i32
        %dma_start3A_98 = tpu.memref_slice %arg2[%add3A_96, %dma_start3A_97] : memref<16384x2048xf32, #tpu.memory_space<hbm>> -> memref<8x2048xf32, #tpu.memory_space<hbm>>
        %dma_start3A_99 = arith.constant 0 : i32
        %dma_start3A_100 = tpu.memref_slice %arg2[%add3A_96, %dma_start3A_99] : memref<16384x2048xf32, #tpu.memory_space<hbm>> -> memref<8x2048xf32, #tpu.memory_space<hbm>>
        tpu.enqueue_dma source(%dma_start3A_100 : memref<8x2048xf32, #tpu.memory_space<hbm>>) target(%arg16 : memref<8x2048xf32, #tpu.memory_space<vmem>>) target_semaphore(%arg20 : memref<!tpu.dma_semaphore, #tpu.memory_space<semaphore_mem>>)
      } else {
      }
      %mul3A_59 = arith.constant 2 : i32
      %mul3A_60 = arith.muli %scan3A_30, %mul3A_59 : i32
      %add3A_61 = arith.constant 1 : i32
      %add3A_62 = arith.addi %mul3A_60, %add3A_61 : i32
      %mul3A_63 = arith.constant 8 : i32
      %mul3A_64 = arith.muli %add3A_62, %mul3A_63 : i32
      %add3A_65 = arith.addi %mul3A_2, %mul3A_64 : i32
      %dma_wait3A_66 = arith.constant 0 : i32
      %dma_wait3A_67 = tpu.memref_slice %arg2[%add3A_65, %dma_wait3A_66] : memref<16384x2048xf32, #tpu.memory_space<hbm>> -> memref<8x2048xf32, #tpu.memory_space<hbm>>
      %dma_wait3A_68 = arith.constant 0 : i32
      %dma_wait3A_69 = tpu.memref_slice %arg2[%add3A_65, %dma_wait3A_68] : memref<16384x2048xf32, #tpu.memory_space<hbm>> -> memref<8x2048xf32, #tpu.memory_space<hbm>>
      tpu.wait_dma2 semaphore(%arg21 : memref<!tpu.dma_semaphore, #tpu.memory_space<semaphore_mem>>) src(%dma_wait3A_69 : memref<8x2048xf32, #tpu.memory_space<hbm>>) dst(%arg17 : memref<8x2048xf32, #tpu.memory_space<vmem>>)
      %gt3A_70 = arith.constant 0 : i32
      %gt3A_71 = arith.cmpi sgt, %scan3A_30, %gt3A_70 : i32
      %convert_element_type3A_72 = arith.extui %gt3A_71 : i1 to i32
      %cond3A_73 = arith.constant 0 : i32
      %cond3A_74 = arith.cmpi ne, %convert_element_type3A_72, %cond3A_73 : i32
      scf.if %cond3A_74 {
        %mul3A_92 = arith.constant 8 : i32
        %mul3A_93 = arith.muli %add3A_62, %mul3A_92 : i32
        %add3A_94 = arith.addi %mul3A_2, %mul3A_93 : i32
        %dma_wait3A_95 = arith.constant 0 : i32
        %dma_wait3A_96 = tpu.memref_slice %arg9[%add3A_94, %dma_wait3A_95] : memref<16384x2048xf32, #tpu.memory_space<hbm>> -> memref<8x2048xf32, #tpu.memory_space<hbm>>
        %dma_wait3A_97 = arith.constant 0 : i32
        %dma_wait3A_98 = tpu.memref_slice %arg9[%add3A_94, %dma_wait3A_97] : memref<16384x2048xf32, #tpu.memory_space<hbm>> -> memref<8x2048xf32, #tpu.memory_space<hbm>>
        tpu.wait_dma2 semaphore(%arg23 : memref<!tpu.dma_semaphore, #tpu.memory_space<semaphore_mem>>) src(%arg19 : memref<8x2048xf32, #tpu.memory_space<vmem>>) dst(%dma_wait3A_98 : memref<8x2048xf32, #tpu.memory_space<hbm>>)
      } else {
      }
      %parallel_loop3A_75 = arith.constant 0 : i32
      %parallel_loop3A_76 = arith.constant 64 : i32
      %parallel_loop3A_77 = arith.constant 1 : i32
      scf.for %parallel_loop3A_92 = %parallel_loop3A_75 to %parallel_loop3A_76 step %parallel_loop3A_77  : i32 {
        %parallel_loop3A_93 = arith.constant 16 : i32
        %parallel_loop3A_94 = arith.muli %parallel_loop3A_92, %parallel_loop3A_93 : i32
        %parallel_loop3A_95 = arith.index_cast %parallel_loop3A_94 : i32 to index
        %parallel_loop3A_96 = tpu.vector_load %arg10[%parallel_loop3A_95] {strides = array<i32>} : memref<1024xi32, #tpu.memory_space<vmem>>, vector<16xi32>,
        %parallel_loop3A_97 = arith.index_cast %parallel_loop3A_94 : i32 to index
        %parallel_loop3A_98 = tpu.vector_load %arg11[%parallel_loop3A_97] {strides = array<i32>} : memref<1024xi32, #tpu.memory_space<vmem>>, vector<16xi32>,
        %parallel_loop3A_99 = arith.index_cast %parallel_loop3A_94 : i32 to index
        %parallel_loop3A_100 = tpu.vector_load %arg12[%parallel_loop3A_99] {strides = array<i32>} : memref<1024xi32, #tpu.memory_space<vmem>>, vector<16xi32>,
        %parallel_loop3A_101 = arith.index_cast %parallel_loop3A_94 : i32 to index
        %parallel_loop3A_102 = tpu.vector_load %arg13[%parallel_loop3A_101] {strides = array<i32>} : memref<1024xi32, #tpu.memory_space<vmem>>, vector<16xi32>,
        %parallel_loop3A_103 = arith.index_cast %parallel_loop3A_94 : i32 to index
        %parallel_loop3A_104 = tpu.vector_load %arg14[%parallel_loop3A_103] {strides = array<i32>} : memref<1024xf32, #tpu.memory_space<vmem>>, vector<16xf32>,
        %parallel_loop3A_105 = arith.index_cast %parallel_loop3A_94 : i32 to index
        %parallel_loop3A_106 = tpu.vector_load %arg15[%parallel_loop3A_105] {strides = array<i32>} : memref<1024xf32, #tpu.memory_space<vmem>>, vector<16xf32>,
        %parallel_loop3A_107 = arith.constant 0 : i32
        %parallel_loop3A_108 = vector.broadcast %parallel_loop3A_107 : i32 to vector<16xi32>
        %parallel_loop3A_109 = tpu.vector_load_idx %arg17[%parallel_loop3A_108, %parallel_loop3A_96] : memref<8x2048xf32, #tpu.memory_space<vmem>>[vector<16xi32>, vector<16xi32>], vector<16xf32>,
        %parallel_loop3A_110 = tpu.vector_load_idx %arg17[%parallel_loop3A_108, %parallel_loop3A_98] : memref<8x2048xf32, #tpu.memory_space<vmem>>[vector<16xi32>, vector<16xi32>], vector<16xf32>,
        %parallel_loop3A_111 = arith.constant 1 : i32
        %parallel_loop3A_112 = vector.broadcast %parallel_loop3A_111 : i32 to vector<16xi32>
        %parallel_loop3A_113 = tpu.vector_load_idx %arg17[%parallel_loop3A_112, %parallel_loop3A_96] : memref<8x2048xf32, #tpu.memory_space<vmem>>[vector<16xi32>, vector<16xi32>], vector<16xf32>,
        %parallel_loop3A_114 = tpu.vector_load_idx %arg17[%parallel_loop3A_112, %parallel_loop3A_98] : memref<8x2048xf32, #tpu.memory_space<vmem>>[vector<16xi32>, vector<16xi32>], vector<16xf32>,
        %parallel_loop3A_115 = arith.constant 2 : i32
        %parallel_loop3A_116 = vector.broadcast %parallel_loop3A_115 : i32 to vector<16xi32>
        %parallel_loop3A_117 = tpu.vector_load_idx %arg17[%parallel_loop3A_116, %parallel_loop3A_96] : memref<8x2048xf32, #tpu.memory_space<vmem>>[vector<16xi32>, vector<16xi32>], vector<16xf32>,
        %parallel_loop3A_118 = tpu.vector_load_idx %arg17[%parallel_loop3A_116, %parallel_loop3A_98] : memref<8x2048xf32, #tpu.memory_space<vmem>>[vector<16xi32>, vector<16xi32>], vector<16xf32>,
        %parallel_loop3A_119 = arith.constant 3 : i32
        %parallel_loop3A_120 = vector.broadcast %parallel_loop3A_119 : i32 to vector<16xi32>
        %parallel_loop3A_121 = tpu.vector_load_idx %arg17[%parallel_loop3A_120, %parallel_loop3A_96] : memref<8x2048xf32, #tpu.memory_space<vmem>>[vector<16xi32>, vector<16xi32>], vector<16xf32>,
        %parallel_loop3A_122 = tpu.vector_load_idx %arg17[%parallel_loop3A_120, %parallel_loop3A_98] : memref<8x2048xf32, #tpu.memory_space<vmem>>[vector<16xi32>, vector<16xi32>], vector<16xf32>,
        %parallel_loop3A_123 = arith.constant 4 : i32
        %parallel_loop3A_124 = vector.broadcast %parallel_loop3A_123 : i32 to vector<16xi32>
        %parallel_loop3A_125 = tpu.vector_load_idx %arg17[%parallel_loop3A_124, %parallel_loop3A_96] : memref<8x2048xf32, #tpu.memory_space<vmem>>[vector<16xi32>, vector<16xi32>], vector<16xf32>,
        %parallel_loop3A_126 = tpu.vector_load_idx %arg17[%parallel_loop3A_124, %parallel_loop3A_98] : memref<8x2048xf32, #tpu.memory_space<vmem>>[vector<16xi32>, vector<16xi32>], vector<16xf32>,
        %parallel_loop3A_127 = arith.constant 5 : i32
        %parallel_loop3A_128 = vector.broadcast %parallel_loop3A_127 : i32 to vector<16xi32>
        %parallel_loop3A_129 = tpu.vector_load_idx %arg17[%parallel_loop3A_128, %parallel_loop3A_96] : memref<8x2048xf32, #tpu.memory_space<vmem>>[vector<16xi32>, vector<16xi32>], vector<16xf32>,
        %parallel_loop3A_130 = tpu.vector_load_idx %arg17[%parallel_loop3A_128, %parallel_loop3A_98] : memref<8x2048xf32, #tpu.memory_space<vmem>>[vector<16xi32>, vector<16xi32>], vector<16xf32>,
        %parallel_loop3A_131 = arith.constant 6 : i32
        %parallel_loop3A_132 = vector.broadcast %parallel_loop3A_131 : i32 to vector<16xi32>
        %parallel_loop3A_133 = tpu.vector_load_idx %arg17[%parallel_loop3A_132, %parallel_loop3A_96] : memref<8x2048xf32, #tpu.memory_space<vmem>>[vector<16xi32>, vector<16xi32>], vector<16xf32>,
        %parallel_loop3A_134 = tpu.vector_load_idx %arg17[%parallel_loop3A_132, %parallel_loop3A_98] : memref<8x2048xf32, #tpu.memory_space<vmem>>[vector<16xi32>, vector<16xi32>], vector<16xf32>,
        %parallel_loop3A_135 = arith.constant 7 : i32
        %parallel_loop3A_136 = vector.broadcast %parallel_loop3A_135 : i32 to vector<16xi32>
        %parallel_loop3A_137 = tpu.vector_load_idx %arg17[%parallel_loop3A_136, %parallel_loop3A_96] : memref<8x2048xf32, #tpu.memory_space<vmem>>[vector<16xi32>, vector<16xi32>], vector<16xf32>,
        %parallel_loop3A_138 = tpu.vector_load_idx %arg17[%parallel_loop3A_136, %parallel_loop3A_98] : memref<8x2048xf32, #tpu.memory_space<vmem>>[vector<16xi32>, vector<16xi32>], vector<16xf32>,
        %parallel_loop3A_139 = arith.constant 0 : i32
        %parallel_loop3A_140 = vector.broadcast %parallel_loop3A_139 : i32 to vector<16xi32>
        %parallel_loop3A_141 = arith.mulf %parallel_loop3A_104, %parallel_loop3A_109 : vector<16xf32>
        %parallel_loop3A_142 = arith.mulf %parallel_loop3A_106, %parallel_loop3A_110 : vector<16xf32>
        %parallel_loop3A_143 = arith.subf %parallel_loop3A_141, %parallel_loop3A_142 : vector<16xf32>
        tpu.vector_store_idx %arg19[%parallel_loop3A_140, %parallel_loop3A_100], %parallel_loop3A_143 : memref<8x2048xf32, #tpu.memory_space<vmem>>[vector<16xi32>, vector<16xi32>], vector<16xf32>,
        %parallel_loop3A_144 = arith.mulf %parallel_loop3A_104, %parallel_loop3A_110 : vector<16xf32>
        %parallel_loop3A_145 = arith.mulf %parallel_loop3A_106, %parallel_loop3A_109 : vector<16xf32>
        %parallel_loop3A_146 = arith.addf %parallel_loop3A_144, %parallel_loop3A_145 : vector<16xf32>
        tpu.vector_store_idx %arg19[%parallel_loop3A_140, %parallel_loop3A_102], %parallel_loop3A_146 : memref<8x2048xf32, #tpu.memory_space<vmem>>[vector<16xi32>, vector<16xi32>], vector<16xf32>,
        %parallel_loop3A_147 = arith.constant 1 : i32
        %parallel_loop3A_148 = vector.broadcast %parallel_loop3A_147 : i32 to vector<16xi32>
        %parallel_loop3A_149 = arith.mulf %parallel_loop3A_104, %parallel_loop3A_113 : vector<16xf32>
        %parallel_loop3A_150 = arith.mulf %parallel_loop3A_106, %parallel_loop3A_114 : vector<16xf32>
        %parallel_loop3A_151 = arith.subf %parallel_loop3A_149, %parallel_loop3A_150 : vector<16xf32>
        tpu.vector_store_idx %arg19[%parallel_loop3A_148, %parallel_loop3A_100], %parallel_loop3A_151 : memref<8x2048xf32, #tpu.memory_space<vmem>>[vector<16xi32>, vector<16xi32>], vector<16xf32>,
        %parallel_loop3A_152 = arith.mulf %parallel_loop3A_104, %parallel_loop3A_114 : vector<16xf32>
        %parallel_loop3A_153 = arith.mulf %parallel_loop3A_106, %parallel_loop3A_113 : vector<16xf32>
        %parallel_loop3A_154 = arith.addf %parallel_loop3A_152, %parallel_loop3A_153 : vector<16xf32>
        tpu.vector_store_idx %arg19[%parallel_loop3A_148, %parallel_loop3A_102], %parallel_loop3A_154 : memref<8x2048xf32, #tpu.memory_space<vmem>>[vector<16xi32>, vector<16xi32>], vector<16xf32>,
        %parallel_loop3A_155 = arith.constant 2 : i32
        %parallel_loop3A_156 = vector.broadcast %parallel_loop3A_155 : i32 to vector<16xi32>
        %parallel_loop3A_157 = arith.mulf %parallel_loop3A_104, %parallel_loop3A_117 : vector<16xf32>
        %parallel_loop3A_158 = arith.mulf %parallel_loop3A_106, %parallel_loop3A_118 : vector<16xf32>
        %parallel_loop3A_159 = arith.subf %parallel_loop3A_157, %parallel_loop3A_158 : vector<16xf32>
        tpu.vector_store_idx %arg19[%parallel_loop3A_156, %parallel_loop3A_100], %parallel_loop3A_159 : memref<8x2048xf32, #tpu.memory_space<vmem>>[vector<16xi32>, vector<16xi32>], vector<16xf32>,
        %parallel_loop3A_160 = arith.mulf %parallel_loop3A_104, %parallel_loop3A_118 : vector<16xf32>
        %parallel_loop3A_161 = arith.mulf %parallel_loop3A_106, %parallel_loop3A_117 : vector<16xf32>
        %parallel_loop3A_162 = arith.addf %parallel_loop3A_160, %parallel_loop3A_161 : vector<16xf32>
        tpu.vector_store_idx %arg19[%parallel_loop3A_156, %parallel_loop3A_102], %parallel_loop3A_162 : memref<8x2048xf32, #tpu.memory_space<vmem>>[vector<16xi32>, vector<16xi32>], vector<16xf32>,
        %parallel_loop3A_163 = arith.constant 3 : i32
        %parallel_loop3A_164 = vector.broadcast %parallel_loop3A_163 : i32 to vector<16xi32>
        %parallel_loop3A_165 = arith.mulf %parallel_loop3A_104, %parallel_loop3A_121 : vector<16xf32>
        %parallel_loop3A_166 = arith.mulf %parallel_loop3A_106, %parallel_loop3A_122 : vector<16xf32>
        %parallel_loop3A_167 = arith.subf %parallel_loop3A_165, %parallel_loop3A_166 : vector<16xf32>
        tpu.vector_store_idx %arg19[%parallel_loop3A_164, %parallel_loop3A_100], %parallel_loop3A_167 : memref<8x2048xf32, #tpu.memory_space<vmem>>[vector<16xi32>, vector<16xi32>], vector<16xf32>,
        %parallel_loop3A_168 = arith.mulf %parallel_loop3A_104, %parallel_loop3A_122 : vector<16xf32>
        %parallel_loop3A_169 = arith.mulf %parallel_loop3A_106, %parallel_loop3A_121 : vector<16xf32>
        %parallel_loop3A_170 = arith.addf %parallel_loop3A_168, %parallel_loop3A_169 : vector<16xf32>
        tpu.vector_store_idx %arg19[%parallel_loop3A_164, %parallel_loop3A_102], %parallel_loop3A_170 : memref<8x2048xf32, #tpu.memory_space<vmem>>[vector<16xi32>, vector<16xi32>], vector<16xf32>,
        %parallel_loop3A_171 = arith.constant 4 : i32
        %parallel_loop3A_172 = vector.broadcast %parallel_loop3A_171 : i32 to vector<16xi32>
        %parallel_loop3A_173 = arith.mulf %parallel_loop3A_104, %parallel_loop3A_125 : vector<16xf32>
        %parallel_loop3A_174 = arith.mulf %parallel_loop3A_106, %parallel_loop3A_126 : vector<16xf32>
        %parallel_loop3A_175 = arith.subf %parallel_loop3A_173, %parallel_loop3A_174 : vector<16xf32>
        tpu.vector_store_idx %arg19[%parallel_loop3A_172, %parallel_loop3A_100], %parallel_loop3A_175 : memref<8x2048xf32, #tpu.memory_space<vmem>>[vector<16xi32>, vector<16xi32>], vector<16xf32>,
        %parallel_loop3A_176 = arith.mulf %parallel_loop3A_104, %parallel_loop3A_126 : vector<16xf32>
        %parallel_loop3A_177 = arith.mulf %parallel_loop3A_106, %parallel_loop3A_125 : vector<16xf32>
        %parallel_loop3A_178 = arith.addf %parallel_loop3A_176, %parallel_loop3A_177 : vector<16xf32>
        tpu.vector_store_idx %arg19[%parallel_loop3A_172, %parallel_loop3A_102], %parallel_loop3A_178 : memref<8x2048xf32, #tpu.memory_space<vmem>>[vector<16xi32>, vector<16xi32>], vector<16xf32>,
        %parallel_loop3A_179 = arith.constant 5 : i32
        %parallel_loop3A_180 = vector.broadcast %parallel_loop3A_179 : i32 to vector<16xi32>
        %parallel_loop3A_181 = arith.mulf %parallel_loop3A_104, %parallel_loop3A_129 : vector<16xf32>
        %parallel_loop3A_182 = arith.mulf %parallel_loop3A_106, %parallel_loop3A_130 : vector<16xf32>
        %parallel_loop3A_183 = arith.subf %parallel_loop3A_181, %parallel_loop3A_182 : vector<16xf32>
        tpu.vector_store_idx %arg19[%parallel_loop3A_180, %parallel_loop3A_100], %parallel_loop3A_183 : memref<8x2048xf32, #tpu.memory_space<vmem>>[vector<16xi32>, vector<16xi32>], vector<16xf32>,
        %parallel_loop3A_184 = arith.mulf %parallel_loop3A_104, %parallel_loop3A_130 : vector<16xf32>
        %parallel_loop3A_185 = arith.mulf %parallel_loop3A_106, %parallel_loop3A_129 : vector<16xf32>
        %parallel_loop3A_186 = arith.addf %parallel_loop3A_184, %parallel_loop3A_185 : vector<16xf32>
        tpu.vector_store_idx %arg19[%parallel_loop3A_180, %parallel_loop3A_102], %parallel_loop3A_186 : memref<8x2048xf32, #tpu.memory_space<vmem>>[vector<16xi32>, vector<16xi32>], vector<16xf32>,
        %parallel_loop3A_187 = arith.constant 6 : i32
        %parallel_loop3A_188 = vector.broadcast %parallel_loop3A_187 : i32 to vector<16xi32>
        %parallel_loop3A_189 = arith.mulf %parallel_loop3A_104, %parallel_loop3A_133 : vector<16xf32>
        %parallel_loop3A_190 = arith.mulf %parallel_loop3A_106, %parallel_loop3A_134 : vector<16xf32>
        %parallel_loop3A_191 = arith.subf %parallel_loop3A_189, %parallel_loop3A_190 : vector<16xf32>
        tpu.vector_store_idx %arg19[%parallel_loop3A_188, %parallel_loop3A_100], %parallel_loop3A_191 : memref<8x2048xf32, #tpu.memory_space<vmem>>[vector<16xi32>, vector<16xi32>], vector<16xf32>,
        %parallel_loop3A_192 = arith.mulf %parallel_loop3A_104, %parallel_loop3A_134 : vector<16xf32>
        %parallel_loop3A_193 = arith.mulf %parallel_loop3A_106, %parallel_loop3A_133 : vector<16xf32>
        %parallel_loop3A_194 = arith.addf %parallel_loop3A_192, %parallel_loop3A_193 : vector<16xf32>
        tpu.vector_store_idx %arg19[%parallel_loop3A_188, %parallel_loop3A_102], %parallel_loop3A_194 : memref<8x2048xf32, #tpu.memory_space<vmem>>[vector<16xi32>, vector<16xi32>], vector<16xf32>,
        %parallel_loop3A_195 = arith.constant 7 : i32
        %parallel_loop3A_196 = vector.broadcast %parallel_loop3A_195 : i32 to vector<16xi32>
        %parallel_loop3A_197 = arith.mulf %parallel_loop3A_104, %parallel_loop3A_137 : vector<16xf32>
        %parallel_loop3A_198 = arith.mulf %parallel_loop3A_106, %parallel_loop3A_138 : vector<16xf32>
        %parallel_loop3A_199 = arith.subf %parallel_loop3A_197, %parallel_loop3A_198 : vector<16xf32>
        tpu.vector_store_idx %arg19[%parallel_loop3A_196, %parallel_loop3A_100], %parallel_loop3A_199 : memref<8x2048xf32, #tpu.memory_space<vmem>>[vector<16xi32>, vector<16xi32>], vector<16xf32>,
        %parallel_loop3A_200 = arith.mulf %parallel_loop3A_104, %parallel_loop3A_138 : vector<16xf32>
        %parallel_loop3A_201 = arith.mulf %parallel_loop3A_106, %parallel_loop3A_137 : vector<16xf32>
        %parallel_loop3A_202 = arith.addf %parallel_loop3A_200, %parallel_loop3A_201 : vector<16xf32>
        tpu.vector_store_idx %arg19[%parallel_loop3A_196, %parallel_loop3A_102], %parallel_loop3A_202 : memref<8x2048xf32, #tpu.memory_space<vmem>>[vector<16xi32>, vector<16xi32>], vector<16xf32>,
      } {sc.loop_unroll_factor = 3 : i64, sc.parallel_access}
      %mul3A_78 = arith.constant 8 : i32
      %mul3A_79 = arith.muli %add3A_62, %mul3A_78 : i32
      %add3A_80 = arith.addi %mul3A_2, %mul3A_79 : i32
      %dma_start3A_81 = arith.constant 0 : i32
      %dma_start3A_82 = tpu.memref_slice %arg9[%add3A_80, %dma_start3A_81] : memref<16384x2048xf32, #tpu.memory_space<hbm>> -> memref<8x2048xf32, #tpu.memory_space<hbm>>
      %dma_start3A_83 = arith.constant 0 : i32
      %dma_start3A_84 = tpu.memref_slice %arg9[%add3A_80, %dma_start3A_83] : memref<16384x2048xf32, #tpu.memory_space<hbm>> -> memref<8x2048xf32, #tpu.memory_space<hbm>>
      tpu.enqueue_dma source(%arg19 : memref<8x2048xf32, #tpu.memory_space<vmem>>) target(%dma_start3A_84 : memref<8x2048xf32, #tpu.memory_space<hbm>>) target_semaphore(%arg23 : memref<!tpu.dma_semaphore, #tpu.memory_space<semaphore_mem>>)
      %add3A_85 = arith.constant 2 : i32
      %add3A_86 = arith.addi %add3A_62, %add3A_85 : i32
      %lt3A_87 = arith.constant 64 : i32
      %lt3A_88 = arith.cmpi slt, %add3A_86, %lt3A_87 : i32
      %convert_element_type3A_89 = arith.extui %lt3A_88 : i1 to i32
      %cond3A_90 = arith.constant 0 : i32
      %cond3A_91 = arith.cmpi ne, %convert_element_type3A_89, %cond3A_90 : i32
      scf.if %cond3A_91 {
        %add3A_92 = arith.constant 2 : i32
        %add3A_93 = arith.addi %add3A_62, %add3A_92 : i32
        %mul3A_94 = arith.constant 8 : i32
        %mul3A_95 = arith.muli %add3A_93, %mul3A_94 : i32
        %add3A_96 = arith.addi %mul3A_2, %mul3A_95 : i32
        %dma_start3A_97 = arith.constant 0 : i32
        %dma_start3A_98 = tpu.memref_slice %arg2[%add3A_96, %dma_start3A_97] : memref<16384x2048xf32, #tpu.memory_space<hbm>> -> memref<8x2048xf32, #tpu.memory_space<hbm>>
        %dma_start3A_99 = arith.constant 0 : i32
        %dma_start3A_100 = tpu.memref_slice %arg2[%add3A_96, %dma_start3A_99] : memref<16384x2048xf32, #tpu.memory_space<hbm>> -> memref<8x2048xf32, #tpu.memory_space<hbm>>
        tpu.enqueue_dma source(%dma_start3A_100 : memref<8x2048xf32, #tpu.memory_space<hbm>>) target(%arg17 : memref<8x2048xf32, #tpu.memory_space<vmem>>) target_semaphore(%arg21 : memref<!tpu.dma_semaphore, #tpu.memory_space<semaphore_mem>>)
      } else {
      }
    }
    %scan3A_18 = arith.constant 32 : i32
    %add3A_19 = arith.constant 496 : i32
    %add3A_20 = arith.addi %mul3A_2, %add3A_19 : i32
    %dma_wait3A = arith.constant 0 : i32
    %dma_wait3A_21 = tpu.memref_slice %arg9[%add3A_20, %dma_wait3A] : memref<16384x2048xf32, #tpu.memory_space<hbm>> -> memref<8x2048xf32, #tpu.memory_space<hbm>>
    %dma_wait3A_22 = arith.constant 0 : i32
    %dma_wait3A_23 = tpu.memref_slice %arg9[%add3A_20, %dma_wait3A_22] : memref<16384x2048xf32, #tpu.memory_space<hbm>> -> memref<8x2048xf32, #tpu.memory_space<hbm>>
    tpu.wait_dma2 semaphore(%arg22 : memref<!tpu.dma_semaphore, #tpu.memory_space<semaphore_mem>>) src(%arg18 : memref<8x2048xf32, #tpu.memory_space<vmem>>) dst(%dma_wait3A_23 : memref<8x2048xf32, #tpu.memory_space<hbm>>)
    %add3A_24 = arith.constant 504 : i32
    %add3A_25 = arith.addi %mul3A_2, %add3A_24 : i32
    %dma_wait3A_26 = arith.constant 0 : i32
    %dma_wait3A_27 = tpu.memref_slice %arg9[%add3A_25, %dma_wait3A_26] : memref<16384x2048xf32, #tpu.memory_space<hbm>> -> memref<8x2048xf32, #tpu.memory_space<hbm>>
    %dma_wait3A_28 = arith.constant 0 : i32
    %dma_wait3A_29 = tpu.memref_slice %arg9[%add3A_25, %dma_wait3A_28] : memref<16384x2048xf32, #tpu.memory_space<hbm>> -> memref<8x2048xf32, #tpu.memory_space<hbm>>
    tpu.wait_dma2 semaphore(%arg23 : memref<!tpu.dma_semaphore, #tpu.memory_space<semaphore_mem>>) src(%arg19 : memref<8x2048xf32, #tpu.memory_space<vmem>>) dst(%dma_wait3A_29 : memref<8x2048xf32, #tpu.memory_space<hbm>>)
    return
  }
}

</mosaic_0001>

<sc_bundles>
// kernel: kernel.3.cloned.1.call-start
scs
__scs_entry_jumppad:
0x0: {  	(pc) =	sbr.rel $0x88, $3  }
0x1: {  	(tag) =	ssettag $0x0;
	lr =	simm.s32 $0x1  }
0x2: {  	[smem:$0x3F9D] =	sst lr;
	_ =	strace $0xD0000000  }
0x3: {  	_ = 	snop  }
0x4: {  	_ = 	snop  }
0x5: {  	_ = 	snop  }
0x6: {  	_ = 	snop  }
0x7: {  	_ = 	snop  }
__scs_overlays_trampoline_lowered:
0x8: {  	[smem:$0x3FAC] =	sst s0  }
0x9: {  	[smem:$0x3FAD] =	sst s1  }
0xa: {  	[smem:$0x3FAE] =	sst s2  }
0xb: {  	[smem:$0x3FAF] =	sst s3  }
0xc: {  	[smem:$0x3FB0] =	sst s4  }
0xd: {  	[smem:$0x3FB1] =	sst s5  }
0xe: {  	[smem:$0x3FB2] =	sst s6  }
0xf: {  	[smem:$0x3FB3] =	sst s7  }
0x10: {  	[smem:$0x3FB4] =	sst s8  }
0x11: {  	[smem:$0x3FB5] =	sst s9;
	s0 =	simm.s32 @!p0 $0x0  }
0x12: {  	s1 =	sld [smem:$0x3F9B];
	s0 =	simm.s32 @p0 $0x1  }
0x13: {  	[smem:$0x3FB6] =	sst s0;
	s0 =	simm.s32 @!p1 $0x0  }
0x14: {  	s2 =	sld [smem:$0x3F9A];
	s0 =	simm.s32 @p1 $0x1  }
0x15: {  	[smem:$0x3FB7] =	sst s0;
	s0 =	simm.s32 @!p2 $0x0  }
0x16: {  	s3 =	sld [smem:$0x3FDB];
	s0 =	simm.s32 @p2 $0x1  }
0x17: {  	s4 =	simm.s32 $0x1BF5;
	[smem:$0x3FB9] =	sst s0  }
0x18: {  	s0 =	sld [smem:$0x3F9C];
	_ =	swait.ge [sflag:s4], $0x0  }
0x19: {  	s7 =	sld [smem:$0x3F9D]  }
0x1a: {  	s8 =	sadd.s32 $0xFFFFE003, lr  }
0x1b: {  	s9 =	sadd.s32 $0xFFFFFEF7, lr;
	s5 =	simm.s32 $0xFFFFFFFF;
	p2 =	slt.u32 s8, $0xFFFFF086  }
0x1c: {  	p1 =	slt.u32 s9, $0xF7A;
	s5 =	simm.s32 @!p2 $0x0  }
0x1d: {  	s5 =	simm.s32 @p1 $0x1;
	p0 =	seq.s32 s7, s2  }
0x1e: {  	s7 =	smul.u32 @!p0 $0xF7A, s2;
	p2 =	seq.s32 @!p0 s5, $0x0  }
0x1f: {  	s9 =	smul.u32 $0xF7A, s1;
	s8 =	simm.s32 @!p0 $0x1BF5;
	p2 =	por !p2, p0  }
0x20: {  	[sflag:s8] =	ssyncset.s32 @!p0 $0xFFFFF086;
	s6 =	sadd.s32 @!p0 s3, s7;
	s7 =	simm.s32 @!p0 $0x108  }
0x21: {  	s3 =	sadd.s32 s3, s9;
	s6 =	sadd.s32 @!p0 $0x88, s6;
	s7 =	simm.s32 @p2 $0x1082  }
0x22: {  	[simem:s7], [sflag:s8] =	dma.local @!p0 [hbm:s6], $0xF7A  }
0x23: {  	s9 =	sor.u32 $0xD0000000, s2;
	s6 =	simm.s32 $0x108;
	_ =	swait.ge @!p0 [sflag:s8], $0x0  }
0x24: {  	s3 =	sadd.s32 $0x88, s3;
	s6 =	simm.s32 @!p1 $0x1082;
	[sflag:s4] =	ssyncset.s32 $0xFFFFF086  }
0x25: {  	[simem:s6], [sflag:s4] =	dma.local [hbm:s3], $0xF7A  }
0x26: {  	[smem:$0x3F9D] =	sst s1;
	(tag) =	ssettag s2;
	_ =	strace s9  }
0x27: {  	s1 =	sld [smem:$0x3FAD]  }
0x28: {  	s2 =	sld [smem:$0x3FAE]  }
0x29: {  	s4 =	sld [smem:$0x3FB0]  }
0x2a: {  	p0 =	seq.s32 s5, $0x0;
	s5 =	sld [smem:$0x3FB1]  }
0x2b: {  	s6 =	sld [smem:$0x3FB2]  }
0x2c: {  	s7 =	sld [smem:$0x3FB3]  }
0x2d: {  	s3 =	simm.s32 $0x108;
	s8 =	sld [smem:$0x3FB4]  }
0x2e: {  	s3 =	simm.s32 @!p0 $0x1082;
	s9 =	sld [smem:$0x3FB5]  }
0x2f: {  	lr =	sadd.s32 s0, s3;
	s0 =	sld [smem:$0x3FAC]  }
0x30: {  	s3 =	sld [smem:$0x3FAF]  }
0x31: {  	[smem:$0x3FB8] =	sst s10  }
0x32: {  	s10 =	sld [smem:$0x3FB6];
	_ =	sdelay $0x3  }
0x33: {  	p0 =	seq.s32 s10, $0x1;
	s10 =	sld [smem:$0x3FB8];
	_ =	sdelay $0x3  }
0x34: {  	[smem:$0x3FB8] =	sst s10  }
0x35: {  	s10 =	sld [smem:$0x3FB7];
	_ =	sdelay $0x3  }
0x36: {  	p1 =	seq.s32 s10, $0x1;
	s10 =	sld [smem:$0x3FB8];
	_ =	sdelay $0x3  }
0x37: {  	[smem:$0x3FB8] =	sst s10  }
0x38: {  	s10 =	sld [smem:$0x3FB9]  }
0x39: {  	_ = 	snop;
	(pc) =	sbr.ind lr, $3  }
0x3a: {  	_ = 	snop  }
0x3b: {  	_ = 	snop  }
0x3c: {  	p2 =	seq.s32 s10, $0x1;
	s10 =	sld [smem:$0x3FB8]  }
0x3d: {  	_ =	shalt  }
0x3e: {  	_ =	shalt  }
0x3f: {  	_ =	shalt  }
0x40: {  	_ =	shalt  }
0x41: {  	_ =	shalt  }
0x42: {  	_ =	shalt  }
0x43: {  	_ =	shalt  }
0x44: {  	_ =	shalt  }
0x45: {  	_ =	shalt  }
0x46: {  	_ =	shalt  }
0x47: {  	_ =	shalt  }
0x48: {  	_ =	shalt  }
0x49: {  	_ =	shalt  }
0x4a: {  	_ =	shalt  }
0x4b: {  	_ =	shalt  }
0x4c: {  	_ =	shalt  }
0x4d: {  	_ =	shalt  }
0x4e: {  	_ =	shalt  }
0x4f: {  	_ =	shalt  }
0x50: {  	_ =	shalt  }
0x51: {  	_ =	shalt  }
0x52: {  	_ =	shalt  }
0x53: {  	_ =	shalt  }
0x54: {  	_ =	shalt  }
0x55: {  	_ =	shalt  }
0x56: {  	_ =	shalt  }
0x57: {  	_ =	shalt  }
0x58: {  	_ =	shalt  }
0x59: {  	_ =	shalt  }
0x5a: {  	_ =	shalt  }
0x5b: {  	_ =	shalt  }
0x5c: {  	_ =	shalt  }
0x5d: {  	_ =	shalt  }
0x5e: {  	_ =	shalt  }
0x5f: {  	_ =	shalt  }
0x60: {  	_ =	shalt  }
0x61: {  	_ =	shalt  }
0x62: {  	_ =	shalt  }
0x63: {  	_ =	shalt  }
0x64: {  	_ =	shalt  }
0x65: {  	_ =	shalt  }
0x66: {  	_ =	shalt  }
0x67: {  	_ =	shalt  }
0x68: {  	_ =	shalt  }
0x69: {  	_ =	shalt  }
0x6a: {  	_ =	shalt  }
0x6b: {  	_ =	shalt  }
0x6c: {  	_ =	shalt  }
0x6d: {  	_ =	shalt  }
0x6e: {  	_ =	shalt  }
0x6f: {  	_ =	shalt  }
0x70: {  	_ =	shalt  }
0x71: {  	_ =	shalt  }
0x72: {  	_ =	shalt  }
0x73: {  	_ =	shalt  }
0x74: {  	_ =	shalt  }
0x75: {  	_ =	shalt  }
0x76: {  	_ =	shalt  }
0x77: {  	_ =	shalt  }
0x78: {  	_ =	shalt  }
0x79: {  	_ =	shalt  }
0x7a: {  	_ =	shalt  }
0x7b: {  	_ =	shalt  }
0x7c: {  	_ =	shalt  }
0x7d: {  	_ =	shalt  }
0x7e: {  	_ =	shalt  }
0x7f: {  	_ =	shalt  }
0x80: {  	_ =	shalt  }
0x81: {  	_ =	shalt  }
0x82: {  	_ =	shalt  }
0x83: {  	_ =	shalt  }
0x84: {  	_ =	shalt  }
0x85: {  	_ =	shalt  }
0x86: {  	_ =	shalt  }
0x87: {  	_ =	shalt  }
.Lfunc_end0:
.L_simem_size_0:
called_computation_lowered:
.L_overlay_start_0:
0x88: {  	s2 =	sld [smem:$0x3FD9]  }
0x89: {  	s3 =	sld [smem:$0x3FFE];
	_ =	sdelay $0x1  }
0x8a: {  	s1 =	srdreg.scid  }
0x8b: {  	s0 =	sand.u32 $0x1, s1  }
0x8c: {  	s17 =	sshll.u32 s0, $0xA;
	s2 =	sadd.s32 s3, s2  }
0x8d: {  	s2 =	sadd.s32 s2, s17  }
0x8e: {  	[smem:$0x3FC4] =	sst s2  }
0x8f: {  	_ = 	snop  }
0x90: {  	s2 =	sld [smem:$0x3FC9]  }
0x91: {  	s18 =	sld [smem:$0x3FD0];
	(tm) =	ssettm $0x1  }
0x92: {  	s4 =	sld [smem:$0x3FFB];
	_ =	sdelay $0x3  }
0x93: {  	_ =	strace s4  }
0x94: {  	s4 =	sld [smem:$0x3FFC];
	_ =	sdelay $0x3  }
0x95: {  	_ =	strace s4  }
0x96: {  	s4 =	sld [smem:$0x3FFD];
	_ =	sdelay $0x3  }
0x97: {  	_ =	strace s4  }
0x98: {  	_ =	strace $0x8FFFFFFF  }
0x99: {  	s19 =	sld [smem:$0x3FDB];
	_ =	sdelay $0x1  }
0x9a: {  	s5 =	simm.s32 $_scs_section_size  }
0x9b: {  	s6 =	simm.s32 $_size__tile_overlayer_lowered;
	s7 =	simm.s32 $_tile_overlayer_lowered  }
0x9c: {  	s22 =	simm.s32 $0x1BFF;
	s21 =	sshll.u32 s7, $0x1;
	s4 =	sadd.s32 s5, s19  }
0x9d: {  	s8 =	simm.s32 $0x0;
	s20 =	sshll.u32 s6, $0x1;
	s6 =	sadd.s32 s21, s4  }
0x9e: {  	[timem:s8], [sflag:s22] =	dma.local [hbm:s6], s20  }
0x9f: {  	_ =	swait.ge [sflag:s22], s20  }
0xa0: {  	s5 =	ssub.s32 $0x0, s20;
	[sflag:s22] =	ssyncset.done $0x0  }
0xa1: {  	[sflag:s22] =	ssyncadd.s32 s5;
	_ =	sdelay $0x1  }
0xa2: {  	s23 =	simm.s32 $0x1B8B  }
0xa3: {  	_ =	swait.ge [sflag:s23], $0x1  }
0xa4: {  	[sflag:s23] =	ssyncset.done $0x0  }
0xa5: {  	s25 =	simm.s32 $0x1B8E;
	s24 =	sld [smem:$0x3FFE];
	[sflag:s23] =	ssyncadd.s32 $0xFFFFFFFF  }
0xa6: {  	s26 =	simm.s32 $execute0_lowered;
	[smem:$0x3FD2] =	sst s25  }
0xa7: {  	s6 =	sshll.u32 s26, $0x1;
	_ =	strace $0x80000046;
	[dreg:$0x1] =	wrdreg $0xFFFFFFFF  }
0xa8: {  	s28 =	simm.s32 $_size_execute0_lowered;
	s4 =	sadd.s32 s4, s6;
	[dreg:$0x0] =	wrdreg $0x0  }
0xa9: {  	s6 =	sshll.u32 s28, $0x1;
	[dreg:$0x2] =	wrdreg s4  }
0xaa: {  	[dreg:$0x3] =	wrdreg s6  }
0xab: {  	[dreg:$0x4] =	wrdreg $0xC0  }
0xac: {  	_ =	task [dreg:s8], $0x5FFFF  }
0xad: {  	[dreg:$0x1] =	wrdreg $0xFFFFFFFF  }
0xae: {  	[dreg:$0x0] =	wrdreg $0x60  }
0xaf: {  	[dreg:$0x2] =	wrdreg s2  }
0xb0: {  	[dreg:$0x3] =	wrdreg s24  }
0xb1: {  	[dreg:$0x4] =	wrdreg s18  }
0xb2: {  	[dreg:$0x5] =	wrdreg $0x9  }
0xb3: {  	_ =	task.clear_ibuf [dreg:s8], $0x6FFFF;
	_ =	strace $0x90000046  }
0xb4: {  	s29 =	simm.s32 $0x9;
	_ =	strace $0x80000048  }
0xb5: {  	_ =	swait.ge [sflag:s29], $0x1  }
0xb6: {  	[sflag:s29] =	ssyncadd.s32 $0xFFFFFFFF  }
0xb7: {  	_ =	strace $0x90000048  }
0xb8: {  	_ =	sfence  }
0xb9: {  	s30 =	sld [smem:$0x0];
	_ =	sdelay $0x2  }
0xba: {  	s31 =	sshll.u32 s1, $0xD;
	s1 =	sshrl.u32 s1, $0x2  }
0xbb: {  	s3 =	sand.u32 $0x4000, s31;
	s1 =	sadd.s32 s1, s30  }
0xbc: {  	s0 =	sor.u32 s3, s0;
	s1 =	sshll.u32 s1, $0x11  }
0xbd: {  	s0 =	sor.u32 s1, s0  }
0xbe: {  	s0 =	sadd.s32 $0x8F2B, s0  }
0xbf: {  	[sflag:s0] =	ssyncadd.remote.s32 $0x1  }
0xc0: {  	_ =	sfence.sel $0xFFFF  }
0xc1: {  	[dreg:$0x0] =	wrdreg $0xFFFFFFFF;
	(pc) =	sbr.abs _section_cstart, $3  }
0xc2: {  	[dreg:$0x1] =	wrdreg $0xFFFFFFFF  }
0xc3: {  	_ =	task.clear_ibuf [dreg:s8], $0x2FFFF;
	_ =	strace $0x9FFFFFFF  }
0xc4: {  	(tm) =	ssettm $0x7FFFFFFF  }
0xc5: {  	_ =	shalt  }
tec
execute0_lowered:
.L_overlay_start_1:
0x0: {  	(tag) =	ssettag $0x1  }
0x1: {  	s1 =	rddreg [dreg:$0x0]  }
0x2: {  	s0 =	rddreg [dreg:$0x1]  }
0x3: {  	s3 =	rddreg [dreg:$0x2];
	s2 =	simm.s32 $0x0  }
0x4: {  	s21 =	srdreg.scid;
	s22 =	stileid.u32;
	s28 =	simm.s32 $0x2  }
0x5: {  	s29 =	simm.s32 $0x4;
	s30 =	simm.s32 $0xD800;
	s31 =	simm.s32 $0x0  }
0x6: {  	[smem:$0x7FF] =	sst s2;
	s4 =	sadd.s32 $0x1000, s0;
	s5 =	sadd.s32 $0xE00, s0  }
0x7: {  	s6 =	sadd.s32 $0x1400, s0;
	_ =	strace $0x80000047;
	[dreg:$0x4] =	wrdreg s4  }
0x8: {  	s7 =	sadd.s32 $0x1200, s0;
	s8 =	sadd.s32 $0xC00, s0;
	[dreg:$0x5] =	wrdreg s5  }
0x9: {  	s9 =	sadd.s32 $0xA00, s0;
	s4 =	sand.u32 $0x1, s21;
	[dreg:$0x6] =	wrdreg s6  }
0xa: {  	s5 =	sshll.u32 s22, $0xA;
	s23 =	sshll.u32 s4, $0x9;
	s4 =	ssub.s32 $0x2, s4  }
0xb: {  	s22 =	simm.s32 $0x1800;
	s5 =	sor.u32 s23, s5;
	s24 =	sshrl.u32 s4, $0x1  }
.Ltmp0:
0xc: {  	s23 =	simm.s32 $0x5800;
	s12 =	sshll.u32 s5, $0x8;
	(pc) =	sbr.rel .LBB2_1-.Ltmp0, $4  }
0xd: {  	s25 =	ssub.s32 s4, s24;
	s26 =	sshrl.u32 s5, $0x3;
	s24 =	simm.s32 $0x3  }
0xe: {  	s10 =	sadd.s32 s1, s12;
	s12 =	sadd.s32 s3, s12;
	s13 =	sor.u32 $0x2, s26  }
0xf: {  	s14 =	sor.u32 $0x3, s26;
	s15 =	smax.u32 s25, $0x1;
	s25 =	simm.s32 $0x1  }
0x10: {  	s26 =	simm.s32 $0x9800;
	s11 =	sadd.s32 $0x800, s10;
	s16 =	sadd.s32 $0x800, s12  }
.LBB2_12:
0x11: {  	s31 =	sadd.s32 $0x1, s31  }
0x12: {  	_ =	swait.ge [sflag:s24], $0x4000;
	p0 =	sne.s32 s31, s15  }
.Ltmp1:
0x13: {  	[sflag:s24] =	ssyncset.done $0x0;
	(pc) =	sbr.rel @!p0 .LBB2_13-.Ltmp1, $4  }
0x14: {  	[sflag:s24] =	ssyncadd.s32 $0xFFFFC000  }
0x15: {  	_ =	swait.ge [sflag:s29], $0x4000  }
0x16: {  	[sflag:s29] =	ssyncset.done $0x0  }
0x17: {  	[sflag:s29] =	ssyncadd.s32 $0xFFFFC000  }
.LBB2_1:
0x18: {  	s0 =	rddreg [dreg:$0x4]  }
0x19: {  	[tilespmem:s2], [sflag:$0x3] =	stream.linear.gather [hbm4b:s0+s2], $0x400, $0x38;
	[tilespmem:$0x11800] =	vst v63  }
0x1a: {  	s6 =	rddreg [dreg:$0x5];
	s3 =	simm.s32 $0x400  }
0x1b: {  	[tilespmem:s3], [sflag:$0x3] =	stream.linear.gather [hbm4b:s6+s2], $0x400, $0x38;
	[tilespmem:$0x11800] =	vst v63  }
0x1c: {  	s17 =	rddreg [dreg:$0x6];
	s18 =	simm.s32 $0x800  }
0x1d: {  	[tilespmem:s18], [sflag:$0x3] =	stream.linear.gather [hbm4b:s17+s2], $0x400, $0x38;
	[tilespmem:$0x11800] =	vst v63  }
0x1e: {  	s19 =	simm.s32 $0xC00  }
0x1f: {  	[tilespmem:s19], [sflag:$0x3] =	stream.linear.gather [hbm4b:s7+s2], $0x400, $0x38;
	[tilespmem:$0x11800] =	vst v63  }
0x20: {  	s20 =	simm.s32 $0x1000  }
0x21: {  	[tilespmem:s20], [sflag:$0x3] =	stream.linear.gather [hbm4b:s8+s2], $0x400, $0x38;
	[tilespmem:$0x11800] =	vst v63  }
0x22: {  	s21 =	simm.s32 $0x1400  }
0x23: {  	[tilespmem:s21], [sflag:$0x3] =	stream.linear.gather [hbm4b:s9+s2], $0x400, $0x38;
	[tilespmem:$0x11800] =	vst v63  }
0x24: {  	_ = 	snop  }
0x25: {  	[tilespmem:s22], [sflag:$0x1] =	stream.linear.gather [hbm4b:s10+s2], $0x4000, $0x38;
	[tilespmem:$0x11800] =	vst v63  }
0x26: {  	_ = 	snop  }
0x27: {  	[tilespmem:s23], [sflag:$0x2] =	stream.linear.gather [hbm4b:s11+s2], $0x4000, $0x38;
	[tilespmem:$0x11800] =	vst v63  }
0x28: {  	_ =	swait.ge [sflag:s24], $0x400  }
0x29: {  	[sflag:s24] =	ssyncset.done $0x0  }
0x2a: {  	[sflag:s24] =	ssyncadd.s32 $0xFFFFFC00  }
0x2b: {  	_ =	swait.ge [sflag:s24], $0x400  }
0x2c: {  	[sflag:s24] =	ssyncset.done $0x0  }
0x2d: {  	[sflag:s24] =	ssyncadd.s32 $0xFFFFFC00  }
0x2e: {  	_ =	swait.ge [sflag:s24], $0x400  }
0x2f: {  	[sflag:s24] =	ssyncset.done $0x0  }
0x30: {  	[sflag:s24] =	ssyncadd.s32 $0xFFFFFC00  }
0x31: {  	_ =	swait.ge [sflag:s24], $0x400  }
0x32: {  	[sflag:s24] =	ssyncset.done $0x0  }
0x33: {  	[sflag:s24] =	ssyncadd.s32 $0xFFFFFC00  }
0x34: {  	_ =	swait.ge [sflag:s24], $0x400  }
0x35: {  	[sflag:s24] =	ssyncset.done $0x0  }
0x36: {  	[sflag:s24] =	ssyncadd.s32 $0xFFFFFC00  }
0x37: {  	_ =	swait.ge [sflag:s24], $0x400  }
0x38: {  	[sflag:s24] =	ssyncset.done $0x0  }
0x39: {  	s0 =	simm.s32 $0x0;
	[sflag:s24] =	ssyncadd.s32 $0xFFFFFC00  }
.LBB2_2:
0x3a: {  	_ =	swait.ge [sflag:s25], $0x4000  }
0x3b: {  	p0 =	seq.s32 s0, $0x0;
	[sflag:s25] =	ssyncset.done $0x0  }
0x3c: {  	s3 =	simm.s32 @!p0 $0x3;
	[sflag:s25] =	ssyncadd.s32 $0xFFFFC000  }
0x3d: {  	_ =	swait.ge @!p0 [sflag:s3], $0x4000  }
0x3e: {  	[sflag:s3] =	ssyncset.done @!p0 $0x0  }
0x3f: {  	s21 =	simm.s32 $0x10;
	[sflag:s3] =	ssyncadd.s32 @!p0 $0xFFFFC000  }
0x40: {  	s17 =	simm.s32 $0x420;
	v0 =	vld [tilespmem:s21+$0x10]  }
0x41: {  	v1 =	vld [tilespmem:s17+$0x0]  }
0x42: {  	v3 =	vld [tilespmem:s21+$0x0]  }
0x43: {  	v5 =	vld [tilespmem:s21+$0xFFFFFFF0]  }
0x44: {  	s19 =	simm.s32 $0x820;
	v4 =	vld [tilespmem:s17+$0xFFFFFFF0]  }
0x45: {  	s20 =	simm.s32 $0xC20;
	v12 =	vld [tilespmem:s19+$0x0]  }
0x46: {  	v14 =	vld [tilespmem:s20+$0x0]  }
0x47: {  	v6 =	vshll.u32 v0, $0x3;
	v0 =	vand.u32 $0x7F, v0;
	v7 =	vshll.u32 v1, $0x3  }
0x48: {  	v1 =	vand.u32 $0x7F, v1;
	v8 =	vshll.u32 v3, $0x3;
	v11 =	vshll.u32 v5, $0x3  }
0x49: {  	v2 =	vld [tilespmem:s17+$0xFFFFFFE0];
	v5 =	vand.u32 $0x7F, v5;
	v3 =	vand.u32 $0x7F, v3;
	v19 =	vand.u32 $0x7F, v4  }
0x4a: {  	v21 =	vand.u32 $0x7F, v12;
	v12 =	vshll.u32 v12, $0x3;
	v6 =	vand.u32 $0xFFFFFC00, v6  }
0x4b: {  	v23 =	vshll.u32 v14, $0x3;
	v0 =	vor.u32 v0, v6;
	v6 =	vand.u32 $0xFFFFFC00, v7  }
0x4c: {  	v14 =	vand.u32 $0x7F, v14;
	v8 =	vand.u32 $0xFFFFFC00, v8;
	v1 =	vor.u32 v1, v6  }
0x4d: {  	s18 =	simm.s32 $0x1020;
	v11 =	vand.u32 $0xFFFFFC00, v11;
	v12 =	vand.u32 $0xFFFFFC00, v12;
	v10 =	vor.u32 $0x80, v0  }
0x4e: {  	v9 =	vld [tilespmem:s18+$0x0];
	s21 =	simm.s32 $0x1420;
	v23 =	vand.u32 $0xFFFFFC00, v23;
	v7 =	vshll.u32 v2, $0x3;
	v16 =	vor.u32 $0x100, v0  }
0x4f: {  	v15 =	vld [tilespmem:s21+$0x0];
	v2 =	vand.u32 $0x7F, v2;
	v5 =	vor.u32 v5, v11;
	v20 =	vor.u32 $0x180, v0  }
0x50: {  	v12 =	vor.u32 v21, v12;
	v14 =	vor.u32 v14, v23;
	v11 =	vor.u32 $0x200, v0;
	v17 =	vld.idx.msk [tilespmem:v0+s22+$0x0], $0xffff  }
0x51: {  	v6 =	vand.u32 $0xFFFFFC00, v7;
	v7 =	vshll.u32 v4, $0x3;
	v28 =	vor.u32 $0x300, v0;
	v4 =	vld.idx.msk [tilespmem:v1+s22+$0x0], $0xffff  }
0x52: {  	v21 =	vor.u32 $0x280, v0;
	v23 =	vor.u32 $0x80, v12;
	v13 =	vor.u32 $0x80, v1;
	v10 =	vld.idx.msk [tilespmem:v10+s22+$0x0], $0xffff  }
0x53: {  	v27 =	vor.u32 $0x80, v14;
	v34 =	vor.u32 $0x100, v12;
	v18 =	vor.u32 $0x100, v1;
	v16 =	vld.idx.msk [tilespmem:v16+s22+$0x0], $0xffff  }
0x54: {  	v37 =	vor.u32 $0x100, v14;
	v6 =	vor.u32 v2, v6;
	v2 =	vor.u32 $0x180, v1;
	v20 =	vld.idx.msk [tilespmem:v20+s22+$0x0], $0xffff  }
0x55: {  	v55 =	vor.u32 $0x180, v14;
	v41 =	vor.u32 $0x280, v12;
	v22 =	vor.u32 $0x200, v1;
	v11 =	vld.idx.msk [tilespmem:v11+s22+$0x0], $0xffff  }
0x56: {  	v45 =	vor.u32 $0x80, v5;
	v28 =	vld.idx.msk [tilespmem:v28+s22+$0x0], $0xffff;
	v24 =	vmul.f32 v17, v9;
	v17 =	vmul.f32 v17, v15  }
0x57: {  	v26 =	vor.u32 $0x280, v1;
	v13 =	vld.idx.msk [tilespmem:v13+s22+$0x0], $0xffff;
	v25 =	vmul.f32 v4, v15;
	v4 =	vmul.f32 v4, v9  }
0x58: {  	v57 =	vor.u32 $0x100, v5;
	v18 =	vld.idx.msk [tilespmem:v18+s22+$0x0], $0xffff;
	v29 =	vmul.f32 v10, v9;
	v10 =	vmul.f32 v10, v15  }
0x59: {  	v7 =	vand.u32 $0xFFFFFC00, v7;
	v2 =	vld.idx.msk [tilespmem:v2+s22+$0x0], $0xffff;
	v32 =	vmul.f32 v16, v9;
	v16 =	vmul.f32 v16, v15  }
0x5a: {  	v31 =	vor.u32 $0x300, v1;
	v22 =	vld.idx.msk [tilespmem:v22+s22+$0x0], $0xffff;
	v35 =	vmul.f32 v20, v9;
	v20 =	vmul.f32 v20, v15  }
0x5b: {  	v1 =	vor.u32 $0x380, v1;
	v40 =	vmul.f32 v28, v9;
	v28 =	vmul.f32 v28, v15  }
0x5c: {  	v56 =	vor.u32 $0x80, v6;
	v26 =	vld.idx.msk [tilespmem:v26+s22+$0x0], $0xffff;
	v30 =	vmul.f32 v13, v15;
	v13 =	vmul.f32 v13, v9  }
0x5d: {  	v0 =	vor.u32 $0x380, v0;
	v21 =	vld.idx.msk [tilespmem:v21+s22+$0x0], $0xffff;
	v33 =	vmul.f32 v18, v15;
	v18 =	vmul.f32 v18, v9  }
0x5e: {  	v58 =	vor.u32 $0x300, v6;
	v36 =	vmul.f32 v2, v15;
	v2 =	vmul.f32 v2, v9  }
0x5f: {  	v38 =	vmul.f32 v22, v15;
	v24 =	vsub.f32 v24, v25;
	v25 =	vmul.f32 v11, v9  }
0x60: {  	v39 =	vld.idx.msk [tilespmem:v1+s22+$0x0], $0xffff;
	v4 =	vadd.f32 v4, v17;
	v17 =	vmul.f32 v22, v9;
	v11 =	vmul.f32 v11, v15  }
0x61: {  	v1 =	vor.u32 $0x380, v12;
	v22 =	vld.idx.msk [tilespmem:v31+s22+$0x0], $0xffff;
	v31 =	vmul.f32 v26, v15;
	v26 =	vmul.f32 v26, v9  }
0x62: {  	v0 =	vld.idx.msk [tilespmem:v0+s22+$0x0], $0xffff;
	v29 =	vsub.f32 v29, v30;
	v30 =	vmul.f32 v21, v9;
	v10 =	vadd.f32 v13, v10  }
0x63: {  	v42 =	vld.idx.msk [tilespmem:v5+s22+$0x0], $0xffff;
	v13 =	vor.u32 $0x180, v12;
	v32 =	vsub.f32 v32, v33;
	v16 =	vadd.f32 v18, v16  }
0x64: {  	v44 =	vld.idx.msk [tilespmem:v6+s22+$0x0], $0xffff;
	v18 =	vor.u32 $0x200, v12;
	v21 =	vmul.f32 v21, v15;
	v35 =	vsub.f32 v35, v36  }
0x65: {  	v36 =	vor.u32 $0x200, v14;
	v20 =	vadd.f32 v2, v20;
	v25 =	vsub.f32 v25, v38;
	[tilespmem:v12+s26+$0x0] =	vst.idx.msk $0xffff, v24  }
0x66: {  	v38 =	vor.u32 $0x280, v14;
	v11 =	vadd.f32 v17, v11;
	v17 =	vor.u32 $0x300, v12;
	v24 =	vld [tilespmem:s19+$0xFFFFFFE0];
	[tilespmem:$0x1FFE0] =	vst v1  }
0x67: {  	v43 =	vmul.f32 v0, v9;
	v30 =	vsub.f32 v30, v31;
	v1 =	vor.u32 $0x380, v14;
	[tilespmem:v14+s26+$0x0] =	vst.idx.msk $0xffff, v4  }
0x68: {  	v21 =	vadd.f32 v26, v21;
	v26 =	vmul.f32 v39, v15;
	v46 =	vld [tilespmem:s20+$0xFFFFFFE0];
	v4 =	vor.u32 v3, v8;
	[tilespmem:$0x1FFF0] =	vst v1  }
0x69: {  	v31 =	vor.u32 $0x300, v14;
	v2 =	vmul.f32 v22, v15;
	v22 =	vmul.f32 v22, v9;
	[tilespmem:v23+s26+$0x0] =	vst.idx.msk $0xffff, v29;
	v23 =	vld [tilespmem:s18+$0xFFFFFFE0]  }
0x6a: {  	v8 =	vor.u32 $0x180, v5;
	v9 =	vmul.f32 v39, v9;
	v15 =	vmul.f32 v0, v15;
	v59 =	vld.idx.msk [tilespmem:v57+s22+$0x0], $0xffff  }
0x6b: {  	v1 =	vsub.f32 v43, v26;
	v0 =	vor.u32 v19, v7;
	v7 =	vor.u32 $0x180, v6;
	v60 =	vld [tilespmem:s19+$0xFFFFFFF0]  }
0x6c: {  	v19 =	vor.u32 $0x200, v6;
	v26 =	vor.u32 $0x280, v5;
	v33 =	vor.u32 $0x100, v4;
	v63 =	vld [tilespmem:s18+$0xFFFFFFF0]  }
0x6d: {  	v50 =	vor.u32 $0x280, v4;
	v54 =	vor.u32 $0x300, v4;
	v29 =	vor.u32 $0x300, v5;
	[tilespmem:v27+s26+$0x0] =	vst.idx.msk $0xffff, v10;
	v10 =	vld [tilespmem:s21+$0xFFFFFFE0]  }
0x6e: {  	v48 =	vor.u32 $0x200, v0;
	v52 =	vor.u32 $0x280, v0;
	v3 =	vadd.f32 v9, v15;
	v9 =	vld.idx.msk [tilespmem:v45+s22+$0x0], $0xffff  }
0x6f: {  	v12 =	vsub.f32 v40, v2;
	v22 =	vadd.f32 v22, v28;
	v28 =	vor.u32 $0x100, v6;
	v27 =	vld.idx.msk [tilespmem:v56+s22+$0x0], $0xffff  }
0x70: {  	v15 =	vor.u32 $0x200, v5;
	v5 =	vor.u32 $0x380, v5;
	v40 =	vor.u32 $0x180, v0;
	[tilespmem:v34+s26+$0x0] =	vst.idx.msk $0xffff, v32;
	v32 =	vld.idx.msk [tilespmem:v58+s22+$0x0], $0xffff  }
0x71: {  	v45 =	vor.u32 $0x200, v4;
	v56 =	vor.u32 $0x300, v0;
	v58 =	vor.u32 $0x380, v4;
	[tilespmem:v37+s26+$0x0] =	vst.idx.msk $0xffff, v16;
	v8 =	vld.idx.msk [tilespmem:v8+s22+$0x0], $0xffff  }
0x72: {  	v16 =	vor.u32 $0x280, v6;
	v6 =	vor.u32 $0x380, v6;
	v37 =	vor.u32 $0x180, v4;
	[tilespmem:v13+s26+$0x0] =	vst.idx.msk $0xffff, v35;
	v7 =	vld.idx.msk [tilespmem:v7+s22+$0x0], $0xffff  }
0x73: {  	v13 =	vor.u32 $0x80, v4;
	v19 =	vld.idx.msk [tilespmem:v19+s22+$0x0], $0xffff;
	v47 =	vmul.f32 v59, v23;
	v2 =	vmul.f32 v44, v23  }
0x74: {  	v35 =	vor.u32 $0x100, v0;
	v26 =	vld.idx.msk [tilespmem:v26+s22+$0x0], $0xffff;
	v39 =	vmul.f32 v9, v23;
	v9 =	vmul.f32 v9, v10  }
0x75: {  	v50 =	vld.idx.msk [tilespmem:v50+s22+$0x0], $0xffff;
	[tilespmem:v55+s26+$0x0] =	vst.idx.msk $0xffff, v20;
	v43 =	vmul.f32 v27, v10;
	v27 =	vmul.f32 v27, v23  }
0x76: {  	v29 =	vld.idx.msk [tilespmem:v29+s22+$0x0], $0xffff;
	v34 =	vmul.f32 v59, v10;
	[tilespmem:v18+s26+$0x0] =	vst.idx.msk $0xffff, v25;
	v44 =	vmul.f32 v44, v10  }
0x77: {  	v28 =	vld.idx.msk [tilespmem:v28+s22+$0x0], $0xffff;
	[tilespmem:v36+s26+$0x0] =	vst.idx.msk $0xffff, v11;
	v51 =	vmul.f32 v8, v23;
	v8 =	vmul.f32 v8, v10  }
0x78: {  	v15 =	vld.idx.msk [tilespmem:v15+s22+$0x0], $0xffff;
	[tilespmem:v41+s26+$0x0] =	vst.idx.msk $0xffff, v30;
	v30 =	vmul.f32 v32, v10;
	v32 =	vmul.f32 v32, v23  }
0x79: {  	v20 =	vor.u32 $0x80, v0;
	v5 =	vld.idx.msk [tilespmem:v5+s22+$0x0], $0xffff;
	v53 =	vmul.f32 v7, v10;
	v7 =	vmul.f32 v7, v23  }
0x7a: {  	v25 =	vor.u32 $0x380, v0;
	v18 =	vld [tilespmem:s20+$0xFFFFFFF0];
	v57 =	vmul.f32 v19, v10;
	v19 =	vmul.f32 v19, v23  }
0x7b: {  	v11 =	vshll.u32 v24, $0x3;
	v16 =	vld.idx.msk [tilespmem:v16+s22+$0x0], $0xffff;
	v59 =	vmul.f32 v26, v23;
	v26 =	vmul.f32 v26, v10  }
0x7c: {  	v6 =	vld.idx.msk [tilespmem:v6+s22+$0x0], $0xffff;
	v39 =	vsub.f32 v39, v43;
	v36 =	vmul.f32 v29, v23;
	v62 =	vmul.f32 v29, v10  }
0x7d: {  	v4 =	vld.idx.msk [tilespmem:v4+s22+$0x0], $0xffff;
	v14 =	vadd.f32 v27, v9;
	v49 =	vmul.f32 v28, v10;
	v28 =	vmul.f32 v28, v23  }
0x7e: {  	v13 =	vld.idx.msk [tilespmem:v13+s22+$0x0], $0xffff;
	[tilespmem:v38+s26+$0x0] =	vst.idx.msk $0xffff, v21;
	v55 =	vmul.f32 v15, v23;
	v15 =	vmul.f32 v15, v10  }
0x7f: {  	v41 =	vld [tilespmem:s21+$0xFFFFFFF0];
	v29 =	vshll.u32 v46, $0x3;
	[tilespmem:v17+s26+$0x0] =	vst.idx.msk $0xffff, v12;
	v43 =	vmul.f32 v5, v23;
	v5 =	vmul.f32 v5, v10  }
0x80: {  	v20 =	vld.idx.msk [tilespmem:v20+s22+$0x0], $0xffff;
	v21 =	vshll.u32 v18, $0x3;
	v38 =	vand.u32 $0xFFFFFC00, v29;
	[tilespmem:v31+s26+$0x0] =	vst.idx.msk $0xffff, v22;
	v61 =	vmul.f32 v16, v10  }
0x81: {  	v22 =	vand.u32 $0x7F, v46;
	v29 =	vld.idx.msk [tilespmem:v45+s22+$0x0], $0xffff;
	v16 =	vmul.f32 v16, v23;
	v9 =	vmul.f32 v6, v10  }
0x82: {  	v6 =	vmul.f32 v6, v23;
	v49 =	vsub.f32 v47, v49;
	v47 =	vmul.f32 v42, v23;
	v23 =	vld.idx.msk [tilespmem:v33+s22+$0x0], $0xffff  }
0x83: {  	v46 =	vand.u32 $0x7F, v18;
	v42 =	vmul.f32 v42, v10;
	v33 =	vand.u32 $0xFFFFFC00, v11;
	v11 =	vld.idx.msk [tilespmem:v35+s22+$0x0], $0xffff  }
0x84: {  	v10 =	vshll.u32 v60, $0x3;
	v35 =	vand.u32 $0xFFFFFC00, v21;
	v21 =	vld.idx.msk [tilespmem:v37+s22+$0x0], $0xffff;
	v37 =	vand.u32 $0x7F, v60  }
0x85: {  	v31 =	vld.idx.msk [tilespmem:v48+s22+$0x0], $0xffff;
	v12 =	vadd.f32 v28, v34;
	v17 =	vand.u32 $0xFFFFFC00, v10;
	v10 =	vand.u32 $0x7F, v24  }
0x86: {  	v24 =	vld.idx.msk [tilespmem:v40+s22+$0x0], $0xffff;
	v34 =	vmul.f32 v13, v63;
	v40 =	vmul.f32 v13, v41;
	v13 =	vsub.f32 v51, v53  }
0x87: {  	v45 =	vmul.f32 v20, v41;
	v48 =	vmul.f32 v20, v63;
	v20 =	vsub.f32 v55, v57  }
0x88: {  	v60 =	vld.idx.msk [tilespmem:v58+s22+$0x0], $0xffff;
	v27 =	vsub.f32 v59, v61;
	v59 =	vmul.f32 v50, v63;
	v50 =	vmul.f32 v50, v41  }
0x89: {  	v51 =	vld.idx.msk [tilespmem:v52+s22+$0x0], $0xffff;
	v28 =	vadd.f32 v16, v26;
	v57 =	vmul.f32 v4, v63;
	v16 =	vmul.f32 v29, v63  }
0x8a: {  	v53 =	vld.idx.msk [tilespmem:v54+s22+$0x0], $0xffff;
	v26 =	vmul.f32 v29, v41;
	v29 =	vsub.f32 v36, v30;
	v36 =	vmul.f32 v31, v41  }
0x8b: {  	v18 =	vadd.f32 v7, v8;
	v61 =	vld.idx.msk [tilespmem:v25+s22+$0x0], $0xffff;
	v58 =	vmul.f32 v31, v63;
	v7 =	vmul.f32 v23, v63  }
0x8c: {  	v8 =	vmul.f32 v23, v41;
	v52 =	vmul.f32 v11, v41;
	v23 =	vadd.f32 v19, v15;
	v19 =	vld.idx.msk [tilespmem:v56+s22+$0x0], $0xffff  }
0x8d: {  	v31 =	vadd.f32 v32, v62;
	v15 =	vmul.f32 v21, v63;
	v54 =	vmul.f32 v21, v41  }
0x8e: {  	v0 =	vld.idx.msk [tilespmem:v0+s22+$0x0], $0xffff;
	v25 =	vadd.f32 v48, v40;
	v48 =	vmul.f32 v60, v41;
	v21 =	vmul.f32 v24, v41  }
0x8f: {  	v32 =	vsub.f32 v43, v9;
	v55 =	vmul.f32 v24, v63;
	v43 =	vmul.f32 v51, v41  }
0x90: {  	v30 =	vadd.f32 v6, v5;
	v5 =	vmul.f32 v53, v63;
	v53 =	vmul.f32 v53, v41  }
0x91: {  	v24 =	vsub.f32 v34, v45;
	v56 =	vmul.f32 v61, v63;
	v34 =	vmul.f32 v19, v41  }
0x92: {  	v45 =	vmul.f32 v19, v63;
	v19 =	vsub.f32 v7, v52;
	v52 =	vmul.f32 v61, v41  }
0x93: {  	v61 =	vmul.f32 v0, v41;
	v41 =	vmul.f32 v4, v41;
	v4 =	vld [tilespmem:$0x1FFE0];
	_ =	sdelay $0x3  }
0x94: {  	v2 =	vadd.f32 v2, v42;
	v11 =	vmul.f32 v11, v63;
	v40 =	vmul.f32 v60, v63  }
0x95: {  	v60 =	vmul.f32 v0, v63;
	v9 =	vsub.f32 v16, v36;
	v16 =	vor.u32 v22, v38  }
0x96: {  	v22 =	vor.u32 v46, v35;
	v21 =	vsub.f32 v15, v21;
	v15 =	vor.u32 v10, v33  }
0x97: {  	v11 =	vadd.f32 v11, v8;
	v8 =	vadd.f32 v58, v26;
	v26 =	vor.u32 v37, v17  }
0x98: {  	v51 =	vmul.f32 v51, v63;
	v62 =	vor.u32 $0x80, v16;
	v46 =	vor.u32 $0x200, v16;
	[tilespmem:v4+s26+$0x0] =	vst.idx.msk $0xffff, v1  }
0x99: {  	v17 =	vsub.f32 v47, v44;
	v7 =	vsub.f32 v59, v43;
	v59 =	vor.u32 $0x80, v15;
	v1 =	vld [tilespmem:$0x1FFF0]  }
0x9a: {  	v42 =	vor.u32 $0x280, v16;
	v38 =	vor.u32 $0x80, v22;
	v63 =	vsub.f32 v57, v61  }
0x9b: {  	v36 =	vor.u32 $0x100, v22;
	v10 =	vadd.f32 v55, v54;
	[tilespmem:v15+s26+$0x0] =	vst.idx.msk $0xffff, v17;
	v17 =	vor.u32 $0x100, v15  }
0x9c: {  	v6 =	vadd.f32 v51, v50;
	v37 =	vor.u32 $0x100, v26;
	v35 =	vor.u32 $0x180, v26;
	[tilespmem:v26+s26+$0x0] =	vst.idx.msk $0xffff, v63  }
0x9d: {  	v47 =	vor.u32 $0x180, v15;
	v44 =	vor.u32 $0x280, v15;
	v5 =	vsub.f32 v5, v34;
	[tilespmem:v16+s26+$0x0] =	vst.idx.msk $0xffff, v2  }
0x9e: {  	v43 =	vor.u32 $0x300, v15;
	v0 =	vadd.f32 v45, v53;
	v50 =	vsub.f32 v40, v52;
	[tilespmem:v59+s26+$0x0] =	vst.idx.msk $0xffff, v39  }
0x9f: {  	v52 =	vadd.f32 v56, v48;
	v33 =	vadd.f32 v60, v41;
	v45 =	vor.u32 $0x200, v15;
	[tilespmem:v62+s26+$0x0] =	vst.idx.msk $0xffff, v14  }
0xa0: {  	v41 =	vor.u32 $0x300, v16;
	v40 =	vor.u32 $0x380, v15;
	v34 =	vor.u32 $0x80, v26;
	[tilespmem:v17+s26+$0x0] =	vst.idx.msk $0xffff, v49  }
0xa1: {  	s4 =	simm.s32 $0x0;
	s5 =	simm.s32 $0x40;
	s3 =	sshll.u32 s0, $0x1;
	v2 =	vor.u32 $0x180, v16;
	v39 =	vor.u32 $0x380, v16;
	[tilespmem:v1+s26+$0x0] =	vst.idx.msk $0xffff, v3;
	v3 =	vor.u32 $0x100, v16  }
.LBB2_3:
0xa2: {  	_ =	sdelay $0x2  }
0xa3: {  	v48 =	vld [tilespmem:s5+$0x10];
	s17 =	sadd.s32 $0x30, s17  }
0xa4: {  	[tilespmem:v3+s26+$0x0] =	vst.idx.msk $0xffff, v12;
	v17 =	vor.u32 $0x200, v26;
	v53 =	vld [tilespmem:s17+$0x0]  }
0xa5: {  	v15 =	vor.u32 $0x280, v26;
	v3 =	vor.u32 $0x380, v26;
	[tilespmem:v47+s26+$0x0] =	vst.idx.msk $0xffff, v13;
	v13 =	vor.u32 $0x300, v26;
	v26 =	vld [tilespmem:s5+$0x0]  }
0xa6: {  	v54 =	vld [tilespmem:s17+$0xFFFFFFF0];
	[tilespmem:v22+s26+$0x0] =	vst.idx.msk $0xffff, v33  }
0xa7: {  	v47 =	vld [tilespmem:s17+$0xFFFFFFE0];
	[tilespmem:v2+s26+$0x0] =	vst.idx.msk $0xffff, v18  }
0xa8: {  	[tilespmem:v34+s26+$0x0] =	vst.idx.msk $0xffff, v24  }
0xa9: {  	v49 =	vor.u32 $0x180, v22;
	v16 =	vor.u32 $0x200, v22;
	s20 =	sadd.s32 $0x30, s20;
	[tilespmem:v45+s26+$0x0] =	vst.idx.msk $0xffff, v20  }
0xaa: {  	v14 =	vor.u32 $0x280, v22;
	v12 =	vor.u32 $0x300, v22;
	v58 =	vld [tilespmem:s20+$0x0];
	[tilespmem:v46+s26+$0x0] =	vst.idx.msk $0xffff, v23;
	v18 =	vshll.u32 v48, $0x3  }
0xab: {  	v1 =	vor.u32 $0x380, v22;
	v23 =	vld [tilespmem:s5+$0xFFFFFFF0];
	[tilespmem:v44+s26+$0x0] =	vst.idx.msk $0xffff, v27;
	v20 =	vand.u32 $0x7F, v48;
	v18 =	vand.u32 $0xFFFFFC00, v18  }
0xac: {  	v27 =	vshll.u32 v53, $0x3;
	[tilespmem:v42+s26+$0x0] =	vst.idx.msk $0xffff, v28;
	v34 =	vand.u32 $0x7F, v26;
	v42 =	vor.u32 v20, v18  }
0xad: {  	v20 =	vand.u32 $0x7F, v53;
	v27 =	vand.u32 $0xFFFFFC00, v27;
	v28 =	vshll.u32 v47, $0x3  }
0xae: {  	s18 =	sadd.s32 $0x30, s18;
	[tilespmem:v43+s26+$0x0] =	vst.idx.msk $0xffff, v29;
	v29 =	vshll.u32 v26, $0x3;
	v60 =	vand.u32 $0x7F, v47;
	v43 =	vor.u32 v20, v27  }
0xaf: {  	s21 =	sadd.s32 $0x30, s21;
	v18 =	vld [tilespmem:s18+$0x0];
	v53 =	vshll.u32 v58, $0x3;
	[tilespmem:v41+s26+$0x0] =	vst.idx.msk $0xffff, v31;
	v31 =	vand.u32 $0xFFFFFC00, v28;
	v55 =	vor.u32 $0x80, v42  }
0xb0: {  	[tilespmem:$0x1FFC0] =	vst v50;
	s19 =	sadd.s32 $0x30, s19;
	v28 =	vshll.u32 v54, $0x3;
	v20 =	vld [tilespmem:s21+$0x0];
	v27 =	vand.u32 $0xFFFFFC00, v29;
	v59 =	vor.u32 $0x100, v42  }
0xb1: {  	[tilespmem:v38+s26+$0x0] =	vst.idx.msk $0xffff, v25;
	v29 =	vld [tilespmem:s19+$0x0];
	v63 =	vor.u32 $0x180, v42;
	v48 =	vor.u32 $0x200, v42;
	v57 =	vor.u32 $0x80, v43  }
0xb2: {  	[tilespmem:v37+s26+$0x0] =	vst.idx.msk $0xffff, v19;
	v28 =	vand.u32 $0xFFFFFC00, v28;
	v62 =	vor.u32 $0x100, v43;
	v56 =	vshll.u32 v23, $0x3;
	v61 =	vld.idx.msk [tilespmem:v42+s22+$0x0], $0xffff  }
0xb3: {  	[tilespmem:v40+s26+$0x0] =	vst.idx.msk $0xffff, v32;
	v24 =	vor.u32 v60, v31;
	v22 =	vand.u32 $0x7F, v23;
	v32 =	vand.u32 $0xFFFFFC00, v56;
	v26 =	vld.idx.msk [tilespmem:v43+s22+$0x0], $0xffff  }
0xb4: {  	[tilespmem:v36+s26+$0x0] =	vst.idx.msk $0xffff, v11;
	v25 =	vor.u32 $0x180, v43;
	v51 =	vor.u32 $0x200, v43;
	v23 =	vor.u32 v22, v32;
	v22 =	vld.idx.msk [tilespmem:v55+s22+$0x0], $0xffff  }
0xb5: {  	v60 =	vor.u32 $0x300, v43;
	[tilespmem:v39+s26+$0x0] =	vst.idx.msk $0xffff, v30;
	v30 =	vand.u32 $0x7F, v54;
	v54 =	vand.u32 $0xFFFFFC00, v53;
	v19 =	vld.idx.msk [tilespmem:v59+s22+$0x0], $0xffff  }
0xb6: {  	[tilespmem:v35+s26+$0x0] =	vst.idx.msk $0xffff, v21;
	v56 =	vor.u32 $0x280, v43;
	v50 =	vand.u32 $0x7F, v29;
	v29 =	vshll.u32 v29, $0x3;
	v21 =	vld.idx.msk [tilespmem:v63+s22+$0x0], $0xffff  }
0xb7: {  	v30 =	vor.u32 v30, v28;
	v55 =	vor.u32 $0x280, v42;
	v32 =	vld.idx.msk [tilespmem:v48+s22+$0x0], $0xffff;
	v29 =	vand.u32 $0xFFFFFC00, v29  }
0xb8: {  	v59 =	vor.u32 $0x300, v42;
	v28 =	vor.u32 $0x180, v23;
	v31 =	vld.idx.msk [tilespmem:v57+s22+$0x0], $0xffff;
	v36 =	vor.u32 v50, v29  }
0xb9: {  	v29 =	vand.u32 $0x7F, v58;
	v57 =	vmul.f32 v61, v18;
	v41 =	vmul.f32 v61, v20  }
0xba: {  	v11 =	vld.idx.msk [tilespmem:v62+s22+$0x0], $0xffff;
	v38 =	vor.u32 v29, v54;
	v58 =	vmul.f32 v26, v20;
	v26 =	vmul.f32 v26, v18  }
0xbb: {  	v25 =	vld.idx.msk [tilespmem:v25+s22+$0x0], $0xffff;
	v29 =	vor.u32 $0x80, v36;
	v46 =	vmul.f32 v22, v18;
	v22 =	vmul.f32 v22, v20  }
0xbc: {  	v37 =	vld.idx.msk [tilespmem:v51+s22+$0x0], $0xffff;
	v63 =	vor.u32 $0x100, v36;
	v53 =	vmul.f32 v21, v18;
	v21 =	vmul.f32 v21, v20  }
0xbd: {  	v48 =	vld.idx.msk [tilespmem:v60+s22+$0x0], $0xffff;
	v61 =	vor.u32 $0x380, v43;
	v40 =	vmul.f32 v32, v18;
	v47 =	vmul.f32 v31, v20  }
0xbe: {  	[tilespmem:v49+s26+$0x0] =	vst.idx.msk $0xffff, v10;
	v49 =	vmul.f32 v31, v18;
	v31 =	vor.u32 $0x380, v42;
	v42 =	vmul.f32 v19, v18  }
0xbf: {  	v51 =	vld.idx.msk [tilespmem:v56+s22+$0x0], $0xffff;
	v44 =	vor.u32 $0x80, v38;
	v50 =	vmul.f32 v11, v20;
	v62 =	vmul.f32 v11, v18  }
0xc0: {  	v2 =	vmovc v52;
	v35 =	vld.idx.msk [tilespmem:v55+s22+$0x0], $0xffff;
	v55 =	vor.u32 $0x100, v38;
	v19 =	vmul.f32 v19, v20;
	v54 =	vmul.f32 v25, v20  }
0xc1: {  	v45 =	vld.idx.msk [tilespmem:v59+s22+$0x0], $0xffff;
	v25 =	vmul.f32 v25, v18;
	v56 =	vmul.f32 v37, v20;
	v39 =	vsub.f32 v57, v58  }
0xc2: {  	v37 =	vmul.f32 v37, v18;
	v52 =	vmul.f32 v48, v20;
	v26 =	vadd.f32 v26, v41;
	v58 =	vld.idx.msk [tilespmem:v61+s22+$0x0], $0xffff  }
0xc3: {  	v48 =	vmul.f32 v48, v18;
	v60 =	vsub.f32 v46, v47;
	v57 =	vld.idx.msk [tilespmem:v31+s22+$0x0], $0xffff;
	[tilespmem:v36+s26+$0x0] =	vst.idx.msk $0xffff, v39  }
0xc4: {  	v41 =	vmul.f32 v32, v20;
	v22 =	vadd.f32 v49, v22;
	[tilespmem:v38+s26+$0x0] =	vst.idx.msk $0xffff, v26;
	v26 =	vor.u32 $0x180, v36  }
0xc5: {  	v59 =	vor.u32 $0x280, v38;
	v46 =	vmul.f32 v51, v20;
	v42 =	vsub.f32 v42, v50;
	[tilespmem:v29+s26+$0x0] =	vst.idx.msk $0xffff, v60  }
0xc6: {  	v49 =	vmul.f32 v51, v18;
	v61 =	vor.u32 $0x180, v38;
	[tilespmem:v44+s26+$0x0] =	vst.idx.msk $0xffff, v22;
	v22 =	vadd.f32 v62, v19  }
0xc7: {  	v32 =	vld [tilespmem:s20+$0xFFFFFFF0];
	v25 =	vadd.f32 v25, v21;
	v51 =	vor.u32 $0x280, v36;
	[tilespmem:v63+s26+$0x0] =	vst.idx.msk $0xffff, v42;
	v63 =	vsub.f32 v53, v54  }
0xc8: {  	v40 =	vsub.f32 v40, v56;
	v21 =	vld [tilespmem:s18+$0xFFFFFFF0];
	v50 =	vmul.f32 v45, v18;
	v62 =	vor.u32 $0x200, v36;
	[tilespmem:v55+s26+$0x0] =	vst.idx.msk $0xffff, v22  }
0xc9: {  	v56 =	vor.u32 $0x280, v23;
	v47 =	vor.u32 $0x380, v30;
	v39 =	vmul.f32 v35, v18;
	v29 =	vld [tilespmem:s19+$0xFFFFFFF0];
	[tilespmem:v26+s26+$0x0] =	vst.idx.msk $0xffff, v63  }
0xca: {  	v35 =	vmul.f32 v35, v20;
	v50 =	vsub.f32 v50, v52;
	v44 =	vor.u32 $0x200, v38;
	v26 =	vld [tilespmem:s21+$0xFFFFFFF0];
	[tilespmem:v17+s26+$0x0] =	vst.idx.msk $0xffff, v9  }
0xcb: {  	v10 =	vld.idx.msk [tilespmem:v23+s22+$0x0], $0xffff;
	v52 =	vor.u32 $0x80, v24;
	v60 =	vor.u32 $0x300, v36;
	v39 =	vsub.f32 v39, v46;
	[tilespmem:v61+s26+$0x0] =	vst.idx.msk $0xffff, v25  }
0xcc: {  	v11 =	vld.idx.msk [tilespmem:v24+s22+$0x0], $0xffff;
	v36 =	vor.u32 $0x380, v36;
	v53 =	vor.u32 $0x100, v23;
	v54 =	vor.u32 $0x180, v24;
	[tilespmem:v16+s26+$0x0] =	vst.idx.msk $0xffff, v8  }
0xcd: {  	v33 =	vld [tilespmem:s20+$0xFFFFFFE0];
	v55 =	vor.u32 $0x200, v24;
	v63 =	vmul.f32 v57, v18;
	v25 =	vadd.f32 v37, v41;
	[tilespmem:v62+s26+$0x0] =	vst.idx.msk $0xffff, v40  }
0xce: {  	v31 =	vld [tilespmem:s19+$0xFFFFFFE0];
	v18 =	vmul.f32 v58, v18;
	v17 =	vor.u32 $0x380, v23;
	v61 =	vmul.f32 v45, v20;
	[tilespmem:v15+s26+$0x0] =	vst.idx.msk $0xffff, v7  }
0xcf: {  	v19 =	vld [tilespmem:s18+$0xFFFFFFE0];
	v16 =	vor.u32 $0x80, v30;
	v62 =	vor.u32 $0x300, v38;
	[tilespmem:v44+s26+$0x0] =	vst.idx.msk $0xffff, v25;
	v25 =	vadd.f32 v49, v35  }
0xd0: {  	v22 =	vld [tilespmem:s21+$0xFFFFFFE0];
	v38 =	vor.u32 $0x380, v38;
	v49 =	vmul.f32 v58, v20;
	v41 =	vadd.f32 v48, v61;
	[tilespmem:v14+s26+$0x0] =	vst.idx.msk $0xffff, v6  }
0xd1: {  	v9 =	vld.idx.msk [tilespmem:v52+s22+$0x0], $0xffff;
	v20 =	vmul.f32 v57, v20;
	v57 =	vor.u32 $0x280, v24;
	v58 =	vor.u32 $0x300, v23;
	[tilespmem:v51+s26+$0x0] =	vst.idx.msk $0xffff, v39  }
0xd2: {  	v6 =	vld.idx.msk [tilespmem:v28+s22+$0x0], $0xffff;
	v28 =	vor.u32 $0x200, v30;
	v44 =	vor.u32 $0x280, v30;
	v61 =	vshll.u32 v33, $0x3;
	[tilespmem:v13+s26+$0x0] =	vst.idx.msk $0xffff, v5  }
0xd3: {  	v8 =	vld.idx.msk [tilespmem:v53+s22+$0x0], $0xffff;
	v51 =	vor.u32 $0x80, v23;
	v37 =	vand.u32 $0xFFFFFC00, v61;
	[tilespmem:v59+s26+$0x0] =	vst.idx.msk $0xffff, v25;
	v25 =	vor.u32 v34, v27  }
0xd4: {  	v5 =	vld.idx.msk [tilespmem:v54+s22+$0x0], $0xffff;
	v27 =	vsub.f32 v63, v49;
	v18 =	vadd.f32 v18, v20;
	v20 =	vor.u32 $0x100, v24  }
0xd5: {  	v14 =	vld.idx.msk [tilespmem:v55+s22+$0x0], $0xffff;
	v59 =	vor.u32 $0x300, v24;
	v63 =	vshll.u32 v32, $0x3;
	[tilespmem:v60+s26+$0x0] =	vst.idx.msk $0xffff, v50;
	v34 =	vor.u32 $0x100, v25  }
0xd6: {  	v17 =	vld.idx.msk [tilespmem:v17+s22+$0x0], $0xffff;
	v15 =	vor.u32 $0x180, v25;
	v42 =	vor.u32 $0x200, v25;
	v43 =	vor.u32 $0x280, v25;
	[tilespmem:v62+s26+$0x0] =	vst.idx.msk $0xffff, v41  }
0xd7: {  	v35 =	vor.u32 $0x300, v25;
	v60 =	vld.idx.msk [tilespmem:v56+s22+$0x0], $0xffff;
	v52 =	vand.u32 $0xFFFFFC00, v63;
	v41 =	vor.u32 $0x100, v30;
	[tilespmem:v36+s26+$0x0] =	vst.idx.msk $0xffff, v27  }
0xd8: {  	v27 =	vor.u32 $0x200, v23;
	v48 =	vmul.f32 v8, v19;
	v8 =	vmul.f32 v8, v22;
	v39 =	vld.idx.msk [tilespmem:v58+s22+$0x0], $0xffff  }
0xd9: {  	[tilespmem:v38+s26+$0x0] =	vst.idx.msk $0xffff, v18;
	v18 =	vld.idx.msk [tilespmem:v51+s22+$0x0], $0xffff;
	v51 =	vmul.f32 v6, v19;
	v6 =	vmul.f32 v6, v22  }
0xda: {  	[tilespmem:v12+s26+$0x0] =	vst.idx.msk $0xffff, v0;
	v62 =	vshll.u32 v29, $0x3;
	v55 =	vmul.f32 v14, v22;
	v56 =	vmul.f32 v14, v19  }
0xdb: {  	v23 =	vor.u32 $0x380, v24;
	v38 =	vld.idx.msk [tilespmem:v57+s22+$0x0], $0xffff;
	v63 =	vmul.f32 v17, v19;
	v17 =	vmul.f32 v17, v22  }
0xdc: {  	v24 =	vor.u32 $0x80, v25;
	v7 =	vld.idx.msk [tilespmem:v20+s22+$0x0], $0xffff;
	v57 =	vmul.f32 v60, v19;
	v36 =	vmul.f32 v60, v22  }
0xdd: {  	v50 =	vand.u32 $0xFFFFFC00, v62;
	v4 =	vld.idx.msk [tilespmem:v27+s22+$0x0], $0xffff;
	v27 =	vmul.f32 v9, v22;
	v9 =	vmul.f32 v9, v19  }
0xde: {  	v58 =	vand.u32 $0x7F, v31;
	v40 =	vld.idx.msk [tilespmem:v59+s22+$0x0], $0xffff;
	v60 =	vmul.f32 v39, v19;
	v39 =	vmul.f32 v39, v22  }
0xdf: {  	v62 =	vand.u32 $0x7F, v29;
	v59 =	vld.idx.msk [tilespmem:v16+s22+$0x0], $0xffff;
	v12 =	vmul.f32 v18, v19;
	v13 =	vmul.f32 v18, v22  }
0xe0: {  	v34 =	vld.idx.msk [tilespmem:v34+s22+$0x0], $0xffff;
	v18 =	vshll.u32 v31, $0x3;
	v31 =	vmul.f32 v38, v22;
	v38 =	vmul.f32 v38, v19  }
0xe1: {  	v20 =	vor.u32 $0x180, v30;
	v41 =	vld.idx.msk [tilespmem:v41+s22+$0x0], $0xffff;
	v49 =	vmul.f32 v7, v22;
	v7 =	vmul.f32 v7, v19  }
0xe2: {  	v29 =	vld.idx.msk [tilespmem:v15+s22+$0x0], $0xffff;
	v53 =	vand.u32 $0xFFFFFC00, v18;
	v18 =	vmul.f32 v5, v22;
	v5 =	vmul.f32 v5, v19  }
0xe3: {  	v23 =	vld.idx.msk [tilespmem:v23+s22+$0x0], $0xffff;
	v61 =	vmul.f32 v40, v22;
	v40 =	vmul.f32 v40, v19;
	v14 =	vsub.f32 v12, v27  }
0xe4: {  	v24 =	vld.idx.msk [tilespmem:v24+s22+$0x0], $0xffff;
	v15 =	vadd.f32 v9, v13;
	v48 =	vsub.f32 v48, v49;
	v49 =	vmul.f32 v59, v26  }
0xe5: {  	v59 =	vmul.f32 v59, v21;
	v12 =	vadd.f32 v7, v8;
	v7 =	vld.idx.msk [tilespmem:v43+s22+$0x0], $0xffff;
	v8 =	vmul.f32 v34, v21  }
0xe6: {  	v34 =	vmul.f32 v34, v26;
	v13 =	vsub.f32 v51, v18;
	v43 =	vld.idx.msk [tilespmem:v44+s22+$0x0], $0xffff;
	v44 =	vmul.f32 v41, v26  }
0xe7: {  	v41 =	vmul.f32 v41, v21;
	v18 =	vadd.f32 v5, v6;
	v6 =	vmul.f32 v29, v21  }
0xe8: {  	v5 =	vld.idx.msk [tilespmem:v35+s22+$0x0], $0xffff;
	v35 =	vmul.f32 v29, v26;
	v29 =	vsub.f32 v60, v61;
	v61 =	vmul.f32 v10, v19  }
0xe9: {  	v45 =	vor.u32 $0x300, v30;
	v9 =	vld.idx.msk [tilespmem:v42+s22+$0x0], $0xffff;
	v54 =	vmul.f32 v4, v19;
	v4 =	vmul.f32 v4, v22  }
0xea: {  	[tilespmem:$0x1FFD0] =	vst v1;
	v0 =	vand.u32 $0x7F, v32;
	v32 =	vmul.f32 v23, v22;
	v1 =	vmul.f32 v23, v19  }
0xeb: {  	v46 =	vor.u32 $0x380, v25;
	v23 =	vld.idx.msk [tilespmem:v20+s22+$0x0], $0xffff;
	v42 =	vmul.f32 v24, v21;
	v16 =	vmul.f32 v24, v26  }
0xec: {  	v24 =	vld.idx.msk [tilespmem:v28+s22+$0x0], $0xffff;
	v28 =	vadd.f32 v38, v36;
	v32 =	vsub.f32 v63, v32;
	v63 =	vmul.f32 v11, v22  }
0xed: {  	v36 =	vld.idx.msk [tilespmem:v25+s22+$0x0], $0xffff;
	v25 =	vadd.f32 v59, v16;
	v16 =	vmul.f32 v11, v19;
	v59 =	vmul.f32 v10, v22  }
0xee: {  	v45 =	vld.idx.msk [tilespmem:v45+s22+$0x0], $0xffff;
	v20 =	vsub.f32 v54, v55;
	v55 =	vmul.f32 v9, v26;
	v38 =	vmul.f32 v7, v21  }
0xef: {  	v27 =	vsub.f32 v57, v31;
	v57 =	vmul.f32 v7, v26;
	v7 =	vld.idx.msk [tilespmem:v30+s22+$0x0], $0xffff;
	v60 =	vmul.f32 v43, v26  }
0xf0: {  	v51 =	vmul.f32 v23, v26;
	v54 =	vmul.f32 v23, v21;
	v23 =	vadd.f32 v56, v4;
	v4 =	vld.idx.msk [tilespmem:v46+s22+$0x0], $0xffff  }
0xf1: {  	v43 =	vmul.f32 v43, v21;
	v46 =	vmul.f32 v9, v21;
	v9 =	vld.idx.msk [tilespmem:v47+s22+$0x0], $0xffff  }
0xf2: {  	v31 =	vadd.f32 v40, v39;
	v39 =	vmul.f32 v5, v21;
	v40 =	vmul.f32 v5, v26  }
0xf3: {  	v19 =	vsub.f32 v8, v44;
	v5 =	vmul.f32 v45, v26;
	v45 =	vmul.f32 v45, v21  }
0xf4: {  	v11 =	vadd.f32 v41, v34;
	v47 =	vmul.f32 v24, v26;
	v56 =	vmul.f32 v24, v21  }
0xf5: {  	v30 =	vadd.f32 v1, v17;
	v44 =	vmul.f32 v36, v21;
	v41 =	vmul.f32 v7, v21  }
0xf6: {  	v24 =	vsub.f32 v42, v49;
	v1 =	vmul.f32 v4, v21;
	v49 =	vmul.f32 v9, v21  }
0xf7: {  	v21 =	vsub.f32 v6, v51;
	v51 =	vor.u32 v58, v53;
	v58 =	vsub.f32 v61, v63;
	v61 =	vld [tilespmem:$0x1FFC0];
	_ =	sdelay $0x1  }
0xf8: {  	v33 =	vand.u32 $0x7F, v33;
	v22 =	vor.u32 v0, v52;
	v16 =	vadd.f32 v16, v59  }
0xf9: {  	v36 =	vmul.f32 v36, v26;
	v5 =	vsub.f32 v39, v5;
	v0 =	vadd.f32 v45, v40  }
0xfa: {  	v10 =	vadd.f32 v54, v35;
	v35 =	vor.u32 v33, v37;
	v17 =	vmul.f32 v4, v26  }
0xfb: {  	v4 =	vmul.f32 v7, v26;
	v7 =	vsub.f32 v38, v60;
	v60 =	vor.u32 $0x80, v51;
	[tilespmem:v3+s26+$0x0] =	vst.idx.msk $0xffff, v61;
	v3 =	vld [tilespmem:$0x1FFD0]  }
0xfc: {  	v42 =	vmul.f32 v9, v26;
	v26 =	vor.u32 v62, v50;
	v62 =	vor.u32 $0x80, v35  }
0xfd: {  	v8 =	vadd.f32 v56, v55;
	v39 =	vor.u32 $0x380, v35;
	v63 =	vor.u32 $0x100, v51  }
0xfe: {  	s4 =	sadd.s32 $0x3, s4;
	v9 =	vsub.f32 v46, v47;
	v6 =	vadd.f32 v43, v57;
	v46 =	vor.u32 $0x200, v35;
	[tilespmem:v51+s26+$0x0] =	vst.idx.msk $0xffff, v58  }
0xff: {  	p1 =	slt.u32 s4, $0x3C;
	v38 =	vor.u32 $0x80, v22;
	v33 =	vadd.f32 v41, v36;
	v47 =	vor.u32 $0x180, v51;
	[tilespmem:v35+s26+$0x0] =	vst.idx.msk $0xffff, v16  }
.Ltmp2:
0x100: {  	v45 =	vor.u32 $0x200, v51;
	v43 =	vor.u32 $0x300, v51;
	v41 =	vor.u32 $0x300, v35;
	[tilespmem:v60+s26+$0x0] =	vst.idx.msk $0xffff, v14;
	(pc) =	sbr.rel @p1 .LBB2_3-.Ltmp2, $4  }
0x101: {  	v40 =	vor.u32 $0x380, v51;
	v34 =	vor.u32 $0x80, v26;
	v1 =	vsub.f32 v1, v42;
	[tilespmem:v62+s26+$0x0] =	vst.idx.msk $0xffff, v15  }
0x102: {  	v37 =	vor.u32 $0x100, v26;
	v17 =	vadd.f32 v49, v17;
	v4 =	vsub.f32 v44, v4;
	[tilespmem:v63+s26+$0x0] =	vst.idx.msk $0xffff, v48  }
0x103: {  	v36 =	vor.u32 $0x100, v22;
	v44 =	vor.u32 $0x280, v51;
	v42 =	vor.u32 $0x280, v35;
	[tilespmem:v3+s26+$0x0] =	vst.idx.msk $0xffff, v2  }
0x104: {  	s5 =	sadd.s32 $0x30, s5;
	v50 =	vmovc v1;
	v52 =	vmovc v17;
	v3 =	vor.u32 $0x100, v35;
	v2 =	vor.u32 $0x180, v35;
	v35 =	vor.u32 $0x180, v26;
	[tilespmem:v26+s26+$0x0] =	vst.idx.msk $0xffff, v4  }
0x105: {  	_ =	sdelay $0x3  }
0x106: {  	[tilespmem:v3+s26+$0x0] =	vst.idx.msk $0xffff, v12  }
0x107: {  	[tilespmem:v22+s26+$0x0] =	vst.idx.msk $0xffff, v33  }
0x108: {  	[tilespmem:v47+s26+$0x0] =	vst.idx.msk $0xffff, v13  }
0x109: {  	[tilespmem:v34+s26+$0x0] =	vst.idx.msk $0xffff, v24  }
0x10a: {  	[tilespmem:v2+s26+$0x0] =	vst.idx.msk $0xffff, v18  }
0x10b: {  	[tilespmem:v38+s26+$0x0] =	vst.idx.msk $0xffff, v25  }
0x10c: {  	[tilespmem:v45+s26+$0x0] =	vst.idx.msk $0xffff, v20  }
0x10d: {  	[tilespmem:v37+s26+$0x0] =	vst.idx.msk $0xffff, v19  }
0x10e: {  	[tilespmem:v46+s26+$0x0] =	vst.idx.msk $0xffff, v23  }
0x10f: {  	[tilespmem:v36+s26+$0x0] =	vst.idx.msk $0xffff, v11  }
0x110: {  	[tilespmem:v44+s26+$0x0] =	vst.idx.msk $0xffff, v27  }
0x111: {  	[tilespmem:v35+s26+$0x0] =	vst.idx.msk $0xffff, v21  }
0x112: {  	v1 =	vor.u32 $0x180, v22;
	[tilespmem:v42+s26+$0x0] =	vst.idx.msk $0xffff, v28  }
0x113: {  	v34 =	vor.u32 $0x200, v26;
	[tilespmem:v43+s26+$0x0] =	vst.idx.msk $0xffff, v29  }
0x114: {  	v38 =	vor.u32 $0x200, v22;
	[tilespmem:v41+s26+$0x0] =	vst.idx.msk $0xffff, v31  }
0x115: {  	v4 =	vor.u32 $0x280, v26;
	[tilespmem:v40+s26+$0x0] =	vst.idx.msk $0xffff, v32  }
0x116: {  	[tilespmem:v39+s26+$0x0] =	vst.idx.msk $0xffff, v30;
	v39 =	vor.u32 $0x280, v22  }
0x117: {  	[tilespmem:v1+s26+$0x0] =	vst.idx.msk $0xffff, v10;
	v40 =	vor.u32 $0x300, v26  }
0x118: {  	[tilespmem:v34+s26+$0x0] =	vst.idx.msk $0xffff, v9;
	v41 =	vor.u32 $0x300, v22  }
0x119: {  	v42 =	vor.u32 $0x380, v26;
	[tilespmem:v38+s26+$0x0] =	vst.idx.msk $0xffff, v8  }
0x11a: {  	v43 =	vor.u32 $0x380, v22;
	[tilespmem:v4+s26+$0x0] =	vst.idx.msk $0xffff, v7  }
0x11b: {  	[tilespmem:v39+s26+$0x0] =	vst.idx.msk $0xffff, v6  }
0x11c: {  	[tilespmem:v40+s26+$0x0] =	vst.idx.msk $0xffff, v5  }
0x11d: {  	[tilespmem:v41+s26+$0x0] =	vst.idx.msk $0xffff, v0  }
0x11e: {  	[tilespmem:v42+s26+$0x0] =	vst.idx.msk $0xffff, v50  }
0x11f: {  	[tilespmem:v43+s26+$0x0] =	vst.idx.msk $0xffff, v52  }
0x120: {  	v0 =	vld [tilespmem:$0x3F0]  }
0x121: {  	v1 =	vld [tilespmem:$0x7F0];
	_ =	sdelay $0x3  }
0x122: {  	v44 =	vshll.u32 v0, $0x3  }
0x123: {  	v0 =	vand.u32 $0x7F, v0;
	v45 =	vshll.u32 v1, $0x3;
	v2 =	vand.u32 $0xFFFFFC00, v44  }
0x124: {  	v1 =	vand.u32 $0x7F, v1;
	v46 =	vand.u32 $0xFFFFFC00, v45;
	v0 =	vor.u32 v0, v2  }
0x125: {  	v47 =	vld [tilespmem:$0xBF0];
	v1 =	vor.u32 v1, v46  }
0x126: {  	v48 =	vld [tilespmem:$0xFF0];
	v49 =	vor.u32 $0x80, v0  }
0x127: {  	v5 =	vld [tilespmem:$0x13F0];
	v50 =	vor.u32 $0x80, v1  }
0x128: {  	v7 =	vld [tilespmem:$0x17F0];
	v51 =	vor.u32 $0x100, v0  }
0x129: {  	v52 =	vor.u32 $0x100, v1;
	v9 =	vld.idx.msk [tilespmem:v0+s22+$0x0], $0xffff  }
0x12a: {  	v59 =	vshll.u32 v47, $0x3;
	v53 =	vor.u32 $0x180, v0;
	v11 =	vld.idx.msk [tilespmem:v1+s22+$0x0], $0xffff  }
0x12b: {  	v3 =	vand.u32 $0x7F, v47;
	v22 =	vand.u32 $0xFFFFFC00, v59;
	v54 =	vor.u32 $0x180, v1;
	v4 =	vld.idx.msk [tilespmem:v49+s22+$0x0], $0xffff  }
0x12c: {  	v60 =	vand.u32 $0x7F, v48;
	v3 =	vor.u32 v3, v22;
	v14 =	vor.u32 $0x200, v0;
	v6 =	vld.idx.msk [tilespmem:v50+s22+$0x0], $0xffff  }
0x12d: {  	v2 =	vshll.u32 v48, $0x3;
	v15 =	vor.u32 $0x200, v1;
	v16 =	vor.u32 $0x280, v0;
	v8 =	vld.idx.msk [tilespmem:v51+s22+$0x0], $0xffff  }
0x12e: {  	v17 =	vor.u32 $0x280, v1;
	v55 =	vor.u32 $0x300, v0;
	v56 =	vor.u32 $0x300, v1;
	v10 =	vld.idx.msk [tilespmem:v52+s22+$0x0], $0xffff  }
0x12f: {  	v2 =	vand.u32 $0xFFFFFC00, v2;
	v12 =	vld.idx.msk [tilespmem:v53+s22+$0x0], $0xffff;
	v57 =	vmul.f32 v9, v5;
	v58 =	vmul.f32 v11, v7  }
0x130: {  	v30 =	vor.u32 $0x80, v3;
	v13 =	vld.idx.msk [tilespmem:v54+s22+$0x0], $0xffff;
	v11 =	vmul.f32 v11, v5;
	v9 =	vmul.f32 v9, v7  }
0x131: {  	v32 =	vor.u32 $0x100, v3;
	v14 =	vld.idx.msk [tilespmem:v14+s22+$0x0], $0xffff;
	v61 =	vmul.f32 v4, v5;
	v62 =	vmul.f32 v6, v7  }
0x132: {  	v2 =	vor.u32 v60, v2;
	v15 =	vld.idx.msk [tilespmem:v15+s22+$0x0], $0xffff;
	v6 =	vmul.f32 v6, v5;
	v4 =	vmul.f32 v4, v7  }
0x133: {  	v0 =	vor.u32 $0x380, v0;
	v63 =	vmul.f32 v8, v5;
	v28 =	vmul.f32 v10, v7  }
0x134: {  	v1 =	vor.u32 $0x380, v1;
	v16 =	vld.idx.msk [tilespmem:v16+s22+$0x0], $0xffff;
	v10 =	vmul.f32 v10, v5;
	v8 =	vmul.f32 v8, v7  }
0x135: {  	v31 =	vor.u32 $0x80, v2;
	v17 =	vld.idx.msk [tilespmem:v17+s22+$0x0], $0xffff;
	v34 =	vmul.f32 v12, v5;
	v35 =	vmul.f32 v13, v7  }
0x136: {  	v33 =	vor.u32 $0x100, v2;
	v18 =	vld.idx.msk [tilespmem:v55+s22+$0x0], $0xffff;
	v13 =	vmul.f32 v13, v5;
	v12 =	vmul.f32 v12, v7  }
0x137: {  	v19 =	vld.idx.msk [tilespmem:v56+s22+$0x0], $0xffff;
	v38 =	vmul.f32 v14, v5;
	v39 =	vmul.f32 v15, v7;
	v20 =	vsub.f32 v57, v58  }
0x138: {  	v0 =	vld.idx.msk [tilespmem:v0+s22+$0x0], $0xffff;
	v45 =	vmul.f32 v15, v5;
	v46 =	vmul.f32 v14, v7;
	v9 =	vadd.f32 v11, v9  }
0x139: {  	v1 =	vld.idx.msk [tilespmem:v1+s22+$0x0], $0xffff;
	v48 =	vmul.f32 v16, v5;
	v29 =	vsub.f32 v61, v62;
	[tilespmem:v3+s26+$0x0] =	vst.idx.msk $0xffff, v20  }
0x13a: {  	v36 =	vor.u32 $0x180, v3;
	v49 =	vmul.f32 v17, v7;
	v4 =	vadd.f32 v6, v4;
	[tilespmem:v2+s26+$0x0] =	vst.idx.msk $0xffff, v9  }
0x13b: {  	v37 =	vor.u32 $0x180, v2;
	v51 =	vmul.f32 v17, v5;
	v21 =	vsub.f32 v63, v28;
	[tilespmem:v30+s26+$0x0] =	vst.idx.msk $0xffff, v29  }
0x13c: {  	v44 =	vor.u32 $0x200, v3;
	v52 =	vmul.f32 v16, v7;
	v40 =	vadd.f32 v10, v8;
	[tilespmem:v31+s26+$0x0] =	vst.idx.msk $0xffff, v4  }
0x13d: {  	v47 =	vor.u32 $0x200, v2;
	v54 =	vmul.f32 v18, v5;
	v41 =	vsub.f32 v34, v35;
	[tilespmem:v32+s26+$0x0] =	vst.idx.msk $0xffff, v21  }
0x13e: {  	v50 =	vor.u32 $0x280, v3;
	v55 =	vmul.f32 v19, v7;
	v42 =	vadd.f32 v13, v12;
	[tilespmem:v33+s26+$0x0] =	vst.idx.msk $0xffff, v40  }
0x13f: {  	v53 =	vor.u32 $0x280, v2;
	v60 =	vmul.f32 v19, v5;
	v43 =	vsub.f32 v38, v39;
	[tilespmem:v36+s26+$0x0] =	vst.idx.msk $0xffff, v41  }
0x140: {  	v56 =	vor.u32 $0x300, v3;
	v6 =	vsub.f32 v48, v49;
	v4 =	vadd.f32 v45, v46;
	[tilespmem:v37+s26+$0x0] =	vst.idx.msk $0xffff, v42  }
0x141: {  	v59 =	vor.u32 $0x300, v2;
	v57 =	vadd.f32 v51, v52;
	v58 =	vsub.f32 v54, v55;
	[tilespmem:v44+s26+$0x0] =	vst.idx.msk $0xffff, v43  }
0x142: {  	v61 =	vmul.f32 v18, v7;
	v3 =	vor.u32 $0x380, v3;
	v62 =	vmul.f32 v0, v5;
	[tilespmem:v47+s26+$0x0] =	vst.idx.msk $0xffff, v4  }
0x143: {  	v63 =	vmul.f32 v1, v7;
	v2 =	vor.u32 $0x380, v2;
	v1 =	vmul.f32 v1, v5;
	[tilespmem:v50+s26+$0x0] =	vst.idx.msk $0xffff, v6  }
0x144: {  	p1 =	sne.s32 s0, $0x1F;
	v0 =	vmul.f32 v0, v7;
	v6 =	vadd.f32 v60, v61;
	[tilespmem:v53+s26+$0x0] =	vst.idx.msk $0xffff, v57  }
.Ltmp3:
0x145: {  	v4 =	vsub.f32 v62, v63;
	[tilespmem:v56+s26+$0x0] =	vst.idx.msk $0xffff, v58;
	(pc) =	sbr.rel @p1 .LBB2_6-.Ltmp3, $4  }
0x146: {  	v0 =	vadd.f32 v1, v0;
	[tilespmem:v59+s26+$0x0] =	vst.idx.msk $0xffff, v6  }
0x147: {  	s17 =	sshll.u32 s0, $0xC;
	[tilespmem:v3+s26+$0x0] =	vst.idx.msk $0xffff, v4  }
0x148: {  	s4 =	sadd.s32 s17, s12;
	[tilespmem:v2+s26+$0x0] =	vst.idx.msk $0xffff, v0  }
0x149: {  	[hbm4b:s4+s2] =	stream.linear.scatter [tilespmem:s26], [sflag:$0x3], $0x4000, $0x38;
	[tilespmem:$0x11800] =	vst v63  }
.Ltmp4:
0x14a: {  	(pc) =	sbr.rel .LBB2_7-.Ltmp4, $4  }
0x14b: {  	_ = 	snop  }
0x14c: {  	_ =	swait.ge [sflag:s28], $0x4000  }
0x14d: {  	[sflag:s28] =	ssyncset.done $0x0  }
0x14e: {  	[sflag:s28] =	ssyncadd.s32 $0xFFFFC000  }
.LBB2_6:
0x14f: {  	s4 =	sadd.s32 s3, s13  }
0x150: {  	s4 =	sshll.u32 s4, $0xB  }
0x151: {  	s4 =	sand.u32 $0x1FFFF000, s4  }
.Ltmp5:
0x152: {  	s4 =	sadd.s32 s1, s4;
	(pc) =	sbr.rel @p0 .LBB2_8-.Ltmp5, $4  }
0x153: {  	[tilespmem:s22], [sflag:$0x1] =	stream.linear.gather [hbm4b:s4+s2], $0x4000, $0x38;
	[tilespmem:$0x11800] =	vst v63  }
0x154: {  	_ =	swait.ge [sflag:s28], $0x4000  }
0x155: {  	[sflag:s28] =	ssyncset.done $0x0  }
0x156: {  	[sflag:s28] =	ssyncadd.s32 $0xFFFFC000  }
.LBB2_7:
0x157: {  	_ =	swait.ge [sflag:s29], $0x4000  }
0x158: {  	[sflag:s29] =	ssyncset.done $0x0  }
0x159: {  	[sflag:s29] =	ssyncadd.s32 $0xFFFFC000  }
.LBB2_8:
0x15a: {  	s4 =	simm.s32 $0x10  }
0x15b: {  	s18 =	simm.s32 $0x420;
	v0 =	vld [tilespmem:s4+$0x10]  }
0x15c: {  	v1 =	vld [tilespmem:s18+$0x0]  }
0x15d: {  	v3 =	vld [tilespmem:s4+$0x0]  }
0x15e: {  	v5 =	vld [tilespmem:s4+$0xFFFFFFF0]  }
0x15f: {  	s20 =	simm.s32 $0x820;
	v4 =	vld [tilespmem:s18+$0xFFFFFFF0]  }
0x160: {  	s21 =	simm.s32 $0xC20;
	v12 =	vld [tilespmem:s20+$0x0]  }
0x161: {  	v14 =	vld [tilespmem:s21+$0x0]  }
0x162: {  	v6 =	vshll.u32 v0, $0x3;
	v0 =	vand.u32 $0x7F, v0;
	v7 =	vshll.u32 v1, $0x3  }
0x163: {  	v1 =	vand.u32 $0x7F, v1;
	v8 =	vshll.u32 v3, $0x3;
	v11 =	vshll.u32 v5, $0x3  }
0x164: {  	v2 =	vld [tilespmem:s18+$0xFFFFFFE0];
	v5 =	vand.u32 $0x7F, v5;
	v3 =	vand.u32 $0x7F, v3;
	v19 =	vand.u32 $0x7F, v4  }
0x165: {  	v21 =	vand.u32 $0x7F, v12;
	v12 =	vshll.u32 v12, $0x3;
	v6 =	vand.u32 $0xFFFFFC00, v6  }
0x166: {  	v23 =	vshll.u32 v14, $0x3;
	v0 =	vor.u32 v0, v6;
	v6 =	vand.u32 $0xFFFFFC00, v7  }
0x167: {  	v14 =	vand.u32 $0x7F, v14;
	v8 =	vand.u32 $0xFFFFFC00, v8;
	v1 =	vor.u32 v1, v6  }
0x168: {  	s19 =	simm.s32 $0x1020;
	v11 =	vand.u32 $0xFFFFFC00, v11;
	v12 =	vand.u32 $0xFFFFFC00, v12;
	v10 =	vor.u32 $0x80, v0  }
0x169: {  	v9 =	vld [tilespmem:s19+$0x0];
	s4 =	simm.s32 $0x1420;
	v23 =	vand.u32 $0xFFFFFC00, v23;
	v7 =	vshll.u32 v2, $0x3;
	v16 =	vor.u32 $0x100, v0  }
0x16a: {  	v15 =	vld [tilespmem:s4+$0x0];
	v2 =	vand.u32 $0x7F, v2;
	v5 =	vor.u32 v5, v11;
	v20 =	vor.u32 $0x180, v0  }
0x16b: {  	v12 =	vor.u32 v21, v12;
	v14 =	vor.u32 v14, v23;
	v11 =	vor.u32 $0x200, v0;
	v17 =	vld.idx.msk [tilespmem:v0+s23+$0x0], $0xffff  }
0x16c: {  	v6 =	vand.u32 $0xFFFFFC00, v7;
	v7 =	vshll.u32 v4, $0x3;
	v28 =	vor.u32 $0x300, v0;
	v4 =	vld.idx.msk [tilespmem:v1+s23+$0x0], $0xffff  }
0x16d: {  	v21 =	vor.u32 $0x280, v0;
	v23 =	vor.u32 $0x80, v12;
	v13 =	vor.u32 $0x80, v1;
	v10 =	vld.idx.msk [tilespmem:v10+s23+$0x0], $0xffff  }
0x16e: {  	v27 =	vor.u32 $0x80, v14;
	v34 =	vor.u32 $0x100, v12;
	v18 =	vor.u32 $0x100, v1;
	v16 =	vld.idx.msk [tilespmem:v16+s23+$0x0], $0xffff  }
0x16f: {  	v37 =	vor.u32 $0x100, v14;
	v6 =	vor.u32 v2, v6;
	v2 =	vor.u32 $0x180, v1;
	v20 =	vld.idx.msk [tilespmem:v20+s23+$0x0], $0xffff  }
0x170: {  	v55 =	vor.u32 $0x180, v14;
	v41 =	vor.u32 $0x280, v12;
	v22 =	vor.u32 $0x200, v1;
	v11 =	vld.idx.msk [tilespmem:v11+s23+$0x0], $0xffff  }
0x171: {  	v45 =	vor.u32 $0x80, v5;
	v28 =	vld.idx.msk [tilespmem:v28+s23+$0x0], $0xffff;
	v24 =	vmul.f32 v17, v9;
	v17 =	vmul.f32 v17, v15  }
0x172: {  	v26 =	vor.u32 $0x280, v1;
	v13 =	vld.idx.msk [tilespmem:v13+s23+$0x0], $0xffff;
	v25 =	vmul.f32 v4, v15;
	v4 =	vmul.f32 v4, v9  }
0x173: {  	v57 =	vor.u32 $0x100, v5;
	v18 =	vld.idx.msk [tilespmem:v18+s23+$0x0], $0xffff;
	v29 =	vmul.f32 v10, v9;
	v10 =	vmul.f32 v10, v15  }
0x174: {  	v7 =	vand.u32 $0xFFFFFC00, v7;
	v2 =	vld.idx.msk [tilespmem:v2+s23+$0x0], $0xffff;
	v32 =	vmul.f32 v16, v9;
	v16 =	vmul.f32 v16, v15  }
0x175: {  	v31 =	vor.u32 $0x300, v1;
	v22 =	vld.idx.msk [tilespmem:v22+s23+$0x0], $0xffff;
	v35 =	vmul.f32 v20, v9;
	v20 =	vmul.f32 v20, v15  }
0x176: {  	v1 =	vor.u32 $0x380, v1;
	v40 =	vmul.f32 v28, v9;
	v28 =	vmul.f32 v28, v15  }
0x177: {  	v56 =	vor.u32 $0x80, v6;
	v26 =	vld.idx.msk [tilespmem:v26+s23+$0x0], $0xffff;
	v30 =	vmul.f32 v13, v15;
	v13 =	vmul.f32 v13, v9  }
0x178: {  	v0 =	vor.u32 $0x380, v0;
	v21 =	vld.idx.msk [tilespmem:v21+s23+$0x0], $0xffff;
	v33 =	vmul.f32 v18, v15;
	v18 =	vmul.f32 v18, v9  }
0x179: {  	v58 =	vor.u32 $0x300, v6;
	v36 =	vmul.f32 v2, v15;
	v2 =	vmul.f32 v2, v9  }
0x17a: {  	v38 =	vmul.f32 v22, v15;
	v24 =	vsub.f32 v24, v25;
	v25 =	vmul.f32 v11, v9  }
0x17b: {  	v39 =	vld.idx.msk [tilespmem:v1+s23+$0x0], $0xffff;
	v4 =	vadd.f32 v4, v17;
	v17 =	vmul.f32 v22, v9;
	v11 =	vmul.f32 v11, v15  }
0x17c: {  	v1 =	vor.u32 $0x380, v12;
	v22 =	vld.idx.msk [tilespmem:v31+s23+$0x0], $0xffff;
	v31 =	vmul.f32 v26, v15;
	v26 =	vmul.f32 v26, v9  }
0x17d: {  	v0 =	vld.idx.msk [tilespmem:v0+s23+$0x0], $0xffff;
	v29 =	vsub.f32 v29, v30;
	v30 =	vmul.f32 v21, v9;
	v10 =	vadd.f32 v13, v10  }
0x17e: {  	v42 =	vld.idx.msk [tilespmem:v5+s23+$0x0], $0xffff;
	v13 =	vor.u32 $0x180, v12;
	v32 =	vsub.f32 v32, v33;
	v16 =	vadd.f32 v18, v16  }
0x17f: {  	v44 =	vld.idx.msk [tilespmem:v6+s23+$0x0], $0xffff;
	v18 =	vor.u32 $0x200, v12;
	v21 =	vmul.f32 v21, v15;
	v35 =	vsub.f32 v35, v36  }
0x180: {  	v36 =	vor.u32 $0x200, v14;
	v20 =	vadd.f32 v2, v20;
	v25 =	vsub.f32 v25, v38;
	[tilespmem:v12+s30+$0x0] =	vst.idx.msk $0xffff, v24  }
0x181: {  	v38 =	vor.u32 $0x280, v14;
	v11 =	vadd.f32 v17, v11;
	v17 =	vor.u32 $0x300, v12;
	v24 =	vld [tilespmem:s20+$0xFFFFFFE0];
	[tilespmem:$0x1FFA0] =	vst v1  }
0x182: {  	v43 =	vmul.f32 v0, v9;
	v30 =	vsub.f32 v30, v31;
	v1 =	vor.u32 $0x380, v14;
	[tilespmem:v14+s30+$0x0] =	vst.idx.msk $0xffff, v4  }
0x183: {  	v21 =	vadd.f32 v26, v21;
	v26 =	vmul.f32 v39, v15;
	v46 =	vld [tilespmem:s21+$0xFFFFFFE0];
	v4 =	vor.u32 v3, v8;
	[tilespmem:$0x1FFB0] =	vst v1  }
0x184: {  	v31 =	vor.u32 $0x300, v14;
	v2 =	vmul.f32 v22, v15;
	v22 =	vmul.f32 v22, v9;
	[tilespmem:v23+s30+$0x0] =	vst.idx.msk $0xffff, v29;
	v23 =	vld [tilespmem:s19+$0xFFFFFFE0]  }
0x185: {  	v8 =	vor.u32 $0x180, v5;
	v9 =	vmul.f32 v39, v9;
	v15 =	vmul.f32 v0, v15;
	v59 =	vld.idx.msk [tilespmem:v57+s23+$0x0], $0xffff  }
0x186: {  	v1 =	vsub.f32 v43, v26;
	v0 =	vor.u32 v19, v7;
	v7 =	vor.u32 $0x180, v6;
	v60 =	vld [tilespmem:s20+$0xFFFFFFF0]  }
0x187: {  	v19 =	vor.u32 $0x200, v6;
	v26 =	vor.u32 $0x280, v5;
	v33 =	vor.u32 $0x100, v4;
	v63 =	vld [tilespmem:s19+$0xFFFFFFF0]  }
0x188: {  	v50 =	vor.u32 $0x280, v4;
	v54 =	vor.u32 $0x300, v4;
	v29 =	vor.u32 $0x300, v5;
	[tilespmem:v27+s30+$0x0] =	vst.idx.msk $0xffff, v10;
	v10 =	vld [tilespmem:s4+$0xFFFFFFE0]  }
0x189: {  	v48 =	vor.u32 $0x200, v0;
	v52 =	vor.u32 $0x280, v0;
	v3 =	vadd.f32 v9, v15;
	v9 =	vld.idx.msk [tilespmem:v45+s23+$0x0], $0xffff  }
0x18a: {  	v12 =	vsub.f32 v40, v2;
	v22 =	vadd.f32 v22, v28;
	v28 =	vor.u32 $0x100, v6;
	v27 =	vld.idx.msk [tilespmem:v56+s23+$0x0], $0xffff  }
0x18b: {  	v15 =	vor.u32 $0x200, v5;
	v5 =	vor.u32 $0x380, v5;
	v40 =	vor.u32 $0x180, v0;
	[tilespmem:v34+s30+$0x0] =	vst.idx.msk $0xffff, v32;
	v32 =	vld.idx.msk [tilespmem:v58+s23+$0x0], $0xffff  }
0x18c: {  	v45 =	vor.u32 $0x200, v4;
	v56 =	vor.u32 $0x300, v0;
	v58 =	vor.u32 $0x380, v4;
	[tilespmem:v37+s30+$0x0] =	vst.idx.msk $0xffff, v16;
	v8 =	vld.idx.msk [tilespmem:v8+s23+$0x0], $0xffff  }
0x18d: {  	v16 =	vor.u32 $0x280, v6;
	v6 =	vor.u32 $0x380, v6;
	v37 =	vor.u32 $0x180, v4;
	[tilespmem:v13+s30+$0x0] =	vst.idx.msk $0xffff, v35;
	v7 =	vld.idx.msk [tilespmem:v7+s23+$0x0], $0xffff  }
0x18e: {  	v13 =	vor.u32 $0x80, v4;
	v19 =	vld.idx.msk [tilespmem:v19+s23+$0x0], $0xffff;
	v47 =	vmul.f32 v59, v23;
	v2 =	vmul.f32 v44, v23  }
0x18f: {  	v35 =	vor.u32 $0x100, v0;
	v26 =	vld.idx.msk [tilespmem:v26+s23+$0x0], $0xffff;
	v39 =	vmul.f32 v9, v23;
	v9 =	vmul.f32 v9, v10  }
0x190: {  	v50 =	vld.idx.msk [tilespmem:v50+s23+$0x0], $0xffff;
	[tilespmem:v55+s30+$0x0] =	vst.idx.msk $0xffff, v20;
	v43 =	vmul.f32 v27, v10;
	v27 =	vmul.f32 v27, v23  }
0x191: {  	v29 =	vld.idx.msk [tilespmem:v29+s23+$0x0], $0xffff;
	v34 =	vmul.f32 v59, v10;
	[tilespmem:v18+s30+$0x0] =	vst.idx.msk $0xffff, v25;
	v44 =	vmul.f32 v44, v10  }
0x192: {  	v28 =	vld.idx.msk [tilespmem:v28+s23+$0x0], $0xffff;
	[tilespmem:v36+s30+$0x0] =	vst.idx.msk $0xffff, v11;
	v51 =	vmul.f32 v8, v23;
	v8 =	vmul.f32 v8, v10  }
0x193: {  	v15 =	vld.idx.msk [tilespmem:v15+s23+$0x0], $0xffff;
	[tilespmem:v41+s30+$0x0] =	vst.idx.msk $0xffff, v30;
	v30 =	vmul.f32 v32, v10;
	v32 =	vmul.f32 v32, v23  }
0x194: {  	v20 =	vor.u32 $0x80, v0;
	v5 =	vld.idx.msk [tilespmem:v5+s23+$0x0], $0xffff;
	v53 =	vmul.f32 v7, v10;
	v7 =	vmul.f32 v7, v23  }
0x195: {  	v25 =	vor.u32 $0x380, v0;
	v18 =	vld [tilespmem:s21+$0xFFFFFFF0];
	v57 =	vmul.f32 v19, v10;
	v19 =	vmul.f32 v19, v23  }
0x196: {  	v11 =	vshll.u32 v24, $0x3;
	v16 =	vld.idx.msk [tilespmem:v16+s23+$0x0], $0xffff;
	v59 =	vmul.f32 v26, v23;
	v26 =	vmul.f32 v26, v10  }
0x197: {  	v6 =	vld.idx.msk [tilespmem:v6+s23+$0x0], $0xffff;
	v39 =	vsub.f32 v39, v43;
	v36 =	vmul.f32 v29, v23;
	v62 =	vmul.f32 v29, v10  }
0x198: {  	v4 =	vld.idx.msk [tilespmem:v4+s23+$0x0], $0xffff;
	v14 =	vadd.f32 v27, v9;
	v49 =	vmul.f32 v28, v10;
	v28 =	vmul.f32 v28, v23  }
0x199: {  	v13 =	vld.idx.msk [tilespmem:v13+s23+$0x0], $0xffff;
	[tilespmem:v38+s30+$0x0] =	vst.idx.msk $0xffff, v21;
	v55 =	vmul.f32 v15, v23;
	v15 =	vmul.f32 v15, v10  }
0x19a: {  	v41 =	vld [tilespmem:s4+$0xFFFFFFF0];
	v29 =	vshll.u32 v46, $0x3;
	[tilespmem:v17+s30+$0x0] =	vst.idx.msk $0xffff, v12;
	v43 =	vmul.f32 v5, v23;
	v5 =	vmul.f32 v5, v10  }
0x19b: {  	v20 =	vld.idx.msk [tilespmem:v20+s23+$0x0], $0xffff;
	v21 =	vshll.u32 v18, $0x3;
	v38 =	vand.u32 $0xFFFFFC00, v29;
	[tilespmem:v31+s30+$0x0] =	vst.idx.msk $0xffff, v22;
	v61 =	vmul.f32 v16, v10  }
0x19c: {  	v22 =	vand.u32 $0x7F, v46;
	v29 =	vld.idx.msk [tilespmem:v45+s23+$0x0], $0xffff;
	v16 =	vmul.f32 v16, v23;
	v9 =	vmul.f32 v6, v10  }
0x19d: {  	v6 =	vmul.f32 v6, v23;
	v49 =	vsub.f32 v47, v49;
	v47 =	vmul.f32 v42, v23;
	v23 =	vld.idx.msk [tilespmem:v33+s23+$0x0], $0xffff  }
0x19e: {  	v46 =	vand.u32 $0x7F, v18;
	v42 =	vmul.f32 v42, v10;
	v33 =	vand.u32 $0xFFFFFC00, v11;
	v11 =	vld.idx.msk [tilespmem:v35+s23+$0x0], $0xffff  }
0x19f: {  	v10 =	vshll.u32 v60, $0x3;
	v35 =	vand.u32 $0xFFFFFC00, v21;
	v21 =	vld.idx.msk [tilespmem:v37+s23+$0x0], $0xffff;
	v37 =	vand.u32 $0x7F, v60  }
0x1a0: {  	v31 =	vld.idx.msk [tilespmem:v48+s23+$0x0], $0xffff;
	v12 =	vadd.f32 v28, v34;
	v17 =	vand.u32 $0xFFFFFC00, v10;
	v10 =	vand.u32 $0x7F, v24  }
0x1a1: {  	v24 =	vld.idx.msk [tilespmem:v40+s23+$0x0], $0xffff;
	v34 =	vmul.f32 v13, v63;
	v40 =	vmul.f32 v13, v41;
	v13 =	vsub.f32 v51, v53  }
0x1a2: {  	v45 =	vmul.f32 v20, v41;
	v48 =	vmul.f32 v20, v63;
	v20 =	vsub.f32 v55, v57  }
0x1a3: {  	v60 =	vld.idx.msk [tilespmem:v58+s23+$0x0], $0xffff;
	v27 =	vsub.f32 v59, v61;
	v59 =	vmul.f32 v50, v63;
	v50 =	vmul.f32 v50, v41  }
0x1a4: {  	v51 =	vld.idx.msk [tilespmem:v52+s23+$0x0], $0xffff;
	v28 =	vadd.f32 v16, v26;
	v57 =	vmul.f32 v4, v63;
	v16 =	vmul.f32 v29, v63  }
0x1a5: {  	v53 =	vld.idx.msk [tilespmem:v54+s23+$0x0], $0xffff;
	v26 =	vmul.f32 v29, v41;
	v29 =	vsub.f32 v36, v30;
	v36 =	vmul.f32 v31, v41  }
0x1a6: {  	v18 =	vadd.f32 v7, v8;
	v61 =	vld.idx.msk [tilespmem:v25+s23+$0x0], $0xffff;
	v58 =	vmul.f32 v31, v63;
	v7 =	vmul.f32 v23, v63  }
0x1a7: {  	v8 =	vmul.f32 v23, v41;
	v52 =	vmul.f32 v11, v41;
	v23 =	vadd.f32 v19, v15;
	v19 =	vld.idx.msk [tilespmem:v56+s23+$0x0], $0xffff  }
0x1a8: {  	v31 =	vadd.f32 v32, v62;
	v15 =	vmul.f32 v21, v63;
	v54 =	vmul.f32 v21, v41  }
0x1a9: {  	v0 =	vld.idx.msk [tilespmem:v0+s23+$0x0], $0xffff;
	v25 =	vadd.f32 v48, v40;
	v48 =	vmul.f32 v60, v41;
	v21 =	vmul.f32 v24, v41  }
0x1aa: {  	v32 =	vsub.f32 v43, v9;
	v55 =	vmul.f32 v24, v63;
	v43 =	vmul.f32 v51, v41  }
0x1ab: {  	v30 =	vadd.f32 v6, v5;
	v5 =	vmul.f32 v53, v63;
	v53 =	vmul.f32 v53, v41  }
0x1ac: {  	v24 =	vsub.f32 v34, v45;
	v56 =	vmul.f32 v61, v63;
	v34 =	vmul.f32 v19, v41  }
0x1ad: {  	v45 =	vmul.f32 v19, v63;
	v19 =	vsub.f32 v7, v52;
	v52 =	vmul.f32 v61, v41  }
0x1ae: {  	v61 =	vmul.f32 v0, v41;
	v41 =	vmul.f32 v4, v41;
	v4 =	vld [tilespmem:$0x1FFA0];
	_ =	sdelay $0x3  }
0x1af: {  	v2 =	vadd.f32 v2, v42;
	v11 =	vmul.f32 v11, v63;
	v40 =	vmul.f32 v60, v63  }
0x1b0: {  	v60 =	vmul.f32 v0, v63;
	v9 =	vsub.f32 v16, v36;
	v16 =	vor.u32 v22, v38  }
0x1b1: {  	v22 =	vor.u32 v46, v35;
	v21 =	vsub.f32 v15, v21;
	v15 =	vor.u32 v10, v33  }
0x1b2: {  	v11 =	vadd.f32 v11, v8;
	v8 =	vadd.f32 v58, v26;
	v26 =	vor.u32 v37, v17  }
0x1b3: {  	v51 =	vmul.f32 v51, v63;
	v62 =	vor.u32 $0x80, v16;
	v46 =	vor.u32 $0x200, v16;
	[tilespmem:v4+s30+$0x0] =	vst.idx.msk $0xffff, v1  }
0x1b4: {  	v17 =	vsub.f32 v47, v44;
	v7 =	vsub.f32 v59, v43;
	v59 =	vor.u32 $0x80, v15;
	v1 =	vld [tilespmem:$0x1FFB0]  }
0x1b5: {  	v42 =	vor.u32 $0x280, v16;
	v38 =	vor.u32 $0x80, v22;
	v63 =	vsub.f32 v57, v61  }
0x1b6: {  	v36 =	vor.u32 $0x100, v22;
	v10 =	vadd.f32 v55, v54;
	[tilespmem:v15+s30+$0x0] =	vst.idx.msk $0xffff, v17;
	v17 =	vor.u32 $0x100, v15  }
0x1b7: {  	v6 =	vadd.f32 v51, v50;
	v37 =	vor.u32 $0x100, v26;
	v35 =	vor.u32 $0x180, v26;
	[tilespmem:v26+s30+$0x0] =	vst.idx.msk $0xffff, v63  }
0x1b8: {  	v47 =	vor.u32 $0x180, v15;
	v44 =	vor.u32 $0x280, v15;
	v5 =	vsub.f32 v5, v34;
	[tilespmem:v16+s30+$0x0] =	vst.idx.msk $0xffff, v2  }
0x1b9: {  	v43 =	vor.u32 $0x300, v15;
	v0 =	vadd.f32 v45, v53;
	v50 =	vsub.f32 v40, v52;
	[tilespmem:v59+s30+$0x0] =	vst.idx.msk $0xffff, v39  }
0x1ba: {  	v52 =	vadd.f32 v56, v48;
	v33 =	vadd.f32 v60, v41;
	v45 =	vor.u32 $0x200, v15;
	[tilespmem:v62+s30+$0x0] =	vst.idx.msk $0xffff, v14  }
0x1bb: {  	v41 =	vor.u32 $0x300, v16;
	v40 =	vor.u32 $0x380, v15;
	v34 =	vor.u32 $0x80, v26;
	[tilespmem:v17+s30+$0x0] =	vst.idx.msk $0xffff, v49  }
0x1bc: {  	s5 =	simm.s32 $0x0;
	s6 =	simm.s32 $0x40;
	v2 =	vor.u32 $0x180, v16;
	v39 =	vor.u32 $0x380, v16;
	[tilespmem:v1+s30+$0x0] =	vst.idx.msk $0xffff, v3;
	v3 =	vor.u32 $0x100, v16  }
.LBB2_9:
0x1bd: {  	_ =	sdelay $0x2  }
0x1be: {  	v48 =	vld [tilespmem:s6+$0x10];
	s18 =	sadd.s32 $0x30, s18  }
0x1bf: {  	[tilespmem:v3+s30+$0x0] =	vst.idx.msk $0xffff, v12;
	v17 =	vor.u32 $0x200, v26;
	v53 =	vld [tilespmem:s18+$0x0]  }
0x1c0: {  	v15 =	vor.u32 $0x280, v26;
	v3 =	vor.u32 $0x380, v26;
	[tilespmem:v47+s30+$0x0] =	vst.idx.msk $0xffff, v13;
	v13 =	vor.u32 $0x300, v26;
	v26 =	vld [tilespmem:s6+$0x0]  }
0x1c1: {  	v54 =	vld [tilespmem:s18+$0xFFFFFFF0];
	[tilespmem:v22+s30+$0x0] =	vst.idx.msk $0xffff, v33  }
0x1c2: {  	v47 =	vld [tilespmem:s18+$0xFFFFFFE0];
	[tilespmem:v2+s30+$0x0] =	vst.idx.msk $0xffff, v18  }
0x1c3: {  	[tilespmem:v34+s30+$0x0] =	vst.idx.msk $0xffff, v24  }
0x1c4: {  	v49 =	vor.u32 $0x180, v22;
	v16 =	vor.u32 $0x200, v22;
	s21 =	sadd.s32 $0x30, s21;
	[tilespmem:v45+s30+$0x0] =	vst.idx.msk $0xffff, v20  }
0x1c5: {  	v14 =	vor.u32 $0x280, v22;
	v12 =	vor.u32 $0x300, v22;
	v58 =	vld [tilespmem:s21+$0x0];
	[tilespmem:v46+s30+$0x0] =	vst.idx.msk $0xffff, v23;
	v18 =	vshll.u32 v48, $0x3  }
0x1c6: {  	v1 =	vor.u32 $0x380, v22;
	v23 =	vld [tilespmem:s6+$0xFFFFFFF0];
	[tilespmem:v44+s30+$0x0] =	vst.idx.msk $0xffff, v27;
	v20 =	vand.u32 $0x7F, v48;
	v18 =	vand.u32 $0xFFFFFC00, v18  }
0x1c7: {  	v27 =	vshll.u32 v53, $0x3;
	[tilespmem:v42+s30+$0x0] =	vst.idx.msk $0xffff, v28;
	v34 =	vand.u32 $0x7F, v26;
	v42 =	vor.u32 v20, v18  }
0x1c8: {  	v20 =	vand.u32 $0x7F, v53;
	v27 =	vand.u32 $0xFFFFFC00, v27;
	v28 =	vshll.u32 v47, $0x3  }
0x1c9: {  	s19 =	sadd.s32 $0x30, s19;
	[tilespmem:v43+s30+$0x0] =	vst.idx.msk $0xffff, v29;
	v29 =	vshll.u32 v26, $0x3;
	v60 =	vand.u32 $0x7F, v47;
	v43 =	vor.u32 v20, v27  }
0x1ca: {  	s4 =	sadd.s32 $0x30, s4;
	v18 =	vld [tilespmem:s19+$0x0];
	v53 =	vshll.u32 v58, $0x3;
	[tilespmem:v41+s30+$0x0] =	vst.idx.msk $0xffff, v31;
	v31 =	vand.u32 $0xFFFFFC00, v28;
	v55 =	vor.u32 $0x80, v42  }
0x1cb: {  	[tilespmem:$0x1FF80] =	vst v50;
	s20 =	sadd.s32 $0x30, s20;
	v28 =	vshll.u32 v54, $0x3;
	v20 =	vld [tilespmem:s4+$0x0];
	v27 =	vand.u32 $0xFFFFFC00, v29;
	v59 =	vor.u32 $0x100, v42  }
0x1cc: {  	[tilespmem:v38+s30+$0x0] =	vst.idx.msk $0xffff, v25;
	v29 =	vld [tilespmem:s20+$0x0];
	v63 =	vor.u32 $0x180, v42;
	v48 =	vor.u32 $0x200, v42;
	v57 =	vor.u32 $0x80, v43  }
0x1cd: {  	[tilespmem:v37+s30+$0x0] =	vst.idx.msk $0xffff, v19;
	v28 =	vand.u32 $0xFFFFFC00, v28;
	v62 =	vor.u32 $0x100, v43;
	v56 =	vshll.u32 v23, $0x3;
	v61 =	vld.idx.msk [tilespmem:v42+s23+$0x0], $0xffff  }
0x1ce: {  	[tilespmem:v40+s30+$0x0] =	vst.idx.msk $0xffff, v32;
	v24 =	vor.u32 v60, v31;
	v22 =	vand.u32 $0x7F, v23;
	v32 =	vand.u32 $0xFFFFFC00, v56;
	v26 =	vld.idx.msk [tilespmem:v43+s23+$0x0], $0xffff  }
0x1cf: {  	[tilespmem:v36+s30+$0x0] =	vst.idx.msk $0xffff, v11;
	v25 =	vor.u32 $0x180, v43;
	v51 =	vor.u32 $0x200, v43;
	v23 =	vor.u32 v22, v32;
	v22 =	vld.idx.msk [tilespmem:v55+s23+$0x0], $0xffff  }
0x1d0: {  	v60 =	vor.u32 $0x300, v43;
	[tilespmem:v39+s30+$0x0] =	vst.idx.msk $0xffff, v30;
	v30 =	vand.u32 $0x7F, v54;
	v54 =	vand.u32 $0xFFFFFC00, v53;
	v19 =	vld.idx.msk [tilespmem:v59+s23+$0x0], $0xffff  }
0x1d1: {  	[tilespmem:v35+s30+$0x0] =	vst.idx.msk $0xffff, v21;
	v56 =	vor.u32 $0x280, v43;
	v50 =	vand.u32 $0x7F, v29;
	v29 =	vshll.u32 v29, $0x3;
	v21 =	vld.idx.msk [tilespmem:v63+s23+$0x0], $0xffff  }
0x1d2: {  	v30 =	vor.u32 v30, v28;
	v55 =	vor.u32 $0x280, v42;
	v32 =	vld.idx.msk [tilespmem:v48+s23+$0x0], $0xffff;
	v29 =	vand.u32 $0xFFFFFC00, v29  }
0x1d3: {  	v59 =	vor.u32 $0x300, v42;
	v28 =	vor.u32 $0x180, v23;
	v31 =	vld.idx.msk [tilespmem:v57+s23+$0x0], $0xffff;
	v36 =	vor.u32 v50, v29  }
0x1d4: {  	v29 =	vand.u32 $0x7F, v58;
	v57 =	vmul.f32 v61, v18;
	v41 =	vmul.f32 v61, v20  }
0x1d5: {  	v11 =	vld.idx.msk [tilespmem:v62+s23+$0x0], $0xffff;
	v38 =	vor.u32 v29, v54;
	v58 =	vmul.f32 v26, v20;
	v26 =	vmul.f32 v26, v18  }
0x1d6: {  	v25 =	vld.idx.msk [tilespmem:v25+s23+$0x0], $0xffff;
	v29 =	vor.u32 $0x80, v36;
	v46 =	vmul.f32 v22, v18;
	v22 =	vmul.f32 v22, v20  }
0x1d7: {  	v37 =	vld.idx.msk [tilespmem:v51+s23+$0x0], $0xffff;
	v63 =	vor.u32 $0x100, v36;
	v53 =	vmul.f32 v21, v18;
	v21 =	vmul.f32 v21, v20  }
0x1d8: {  	v48 =	vld.idx.msk [tilespmem:v60+s23+$0x0], $0xffff;
	v61 =	vor.u32 $0x380, v43;
	v40 =	vmul.f32 v32, v18;
	v47 =	vmul.f32 v31, v20  }
0x1d9: {  	[tilespmem:v49+s30+$0x0] =	vst.idx.msk $0xffff, v10;
	v49 =	vmul.f32 v31, v18;
	v31 =	vor.u32 $0x380, v42;
	v42 =	vmul.f32 v19, v18  }
0x1da: {  	v51 =	vld.idx.msk [tilespmem:v56+s23+$0x0], $0xffff;
	v44 =	vor.u32 $0x80, v38;
	v50 =	vmul.f32 v11, v20;
	v62 =	vmul.f32 v11, v18  }
0x1db: {  	v2 =	vmovc v52;
	v35 =	vld.idx.msk [tilespmem:v55+s23+$0x0], $0xffff;
	v55 =	vor.u32 $0x100, v38;
	v19 =	vmul.f32 v19, v20;
	v54 =	vmul.f32 v25, v20  }
0x1dc: {  	v45 =	vld.idx.msk [tilespmem:v59+s23+$0x0], $0xffff;
	v25 =	vmul.f32 v25, v18;
	v56 =	vmul.f32 v37, v20;
	v39 =	vsub.f32 v57, v58  }
0x1dd: {  	v37 =	vmul.f32 v37, v18;
	v52 =	vmul.f32 v48, v20;
	v26 =	vadd.f32 v26, v41;
	v58 =	vld.idx.msk [tilespmem:v61+s23+$0x0], $0xffff  }
0x1de: {  	v48 =	vmul.f32 v48, v18;
	v60 =	vsub.f32 v46, v47;
	v57 =	vld.idx.msk [tilespmem:v31+s23+$0x0], $0xffff;
	[tilespmem:v36+s30+$0x0] =	vst.idx.msk $0xffff, v39  }
0x1df: {  	v41 =	vmul.f32 v32, v20;
	v22 =	vadd.f32 v49, v22;
	[tilespmem:v38+s30+$0x0] =	vst.idx.msk $0xffff, v26;
	v26 =	vor.u32 $0x180, v36  }
0x1e0: {  	v59 =	vor.u32 $0x280, v38;
	v46 =	vmul.f32 v51, v20;
	v42 =	vsub.f32 v42, v50;
	[tilespmem:v29+s30+$0x0] =	vst.idx.msk $0xffff, v60  }
0x1e1: {  	v49 =	vmul.f32 v51, v18;
	v61 =	vor.u32 $0x180, v38;
	[tilespmem:v44+s30+$0x0] =	vst.idx.msk $0xffff, v22;
	v22 =	vadd.f32 v62, v19  }
0x1e2: {  	v32 =	vld [tilespmem:s21+$0xFFFFFFF0];
	v25 =	vadd.f32 v25, v21;
	v51 =	vor.u32 $0x280, v36;
	[tilespmem:v63+s30+$0x0] =	vst.idx.msk $0xffff, v42;
	v63 =	vsub.f32 v53, v54  }
0x1e3: {  	v40 =	vsub.f32 v40, v56;
	v21 =	vld [tilespmem:s19+$0xFFFFFFF0];
	v50 =	vmul.f32 v45, v18;
	v62 =	vor.u32 $0x200, v36;
	[tilespmem:v55+s30+$0x0] =	vst.idx.msk $0xffff, v22  }
0x1e4: {  	v56 =	vor.u32 $0x280, v23;
	v47 =	vor.u32 $0x380, v30;
	v39 =	vmul.f32 v35, v18;
	v29 =	vld [tilespmem:s20+$0xFFFFFFF0];
	[tilespmem:v26+s30+$0x0] =	vst.idx.msk $0xffff, v63  }
0x1e5: {  	v35 =	vmul.f32 v35, v20;
	v50 =	vsub.f32 v50, v52;
	v44 =	vor.u32 $0x200, v38;
	v26 =	vld [tilespmem:s4+$0xFFFFFFF0];
	[tilespmem:v17+s30+$0x0] =	vst.idx.msk $0xffff, v9  }
0x1e6: {  	v10 =	vld.idx.msk [tilespmem:v23+s23+$0x0], $0xffff;
	v52 =	vor.u32 $0x80, v24;
	v60 =	vor.u32 $0x300, v36;
	v39 =	vsub.f32 v39, v46;
	[tilespmem:v61+s30+$0x0] =	vst.idx.msk $0xffff, v25  }
0x1e7: {  	v11 =	vld.idx.msk [tilespmem:v24+s23+$0x0], $0xffff;
	v36 =	vor.u32 $0x380, v36;
	v53 =	vor.u32 $0x100, v23;
	v54 =	vor.u32 $0x180, v24;
	[tilespmem:v16+s30+$0x0] =	vst.idx.msk $0xffff, v8  }
0x1e8: {  	v33 =	vld [tilespmem:s21+$0xFFFFFFE0];
	v55 =	vor.u32 $0x200, v24;
	v63 =	vmul.f32 v57, v18;
	v25 =	vadd.f32 v37, v41;
	[tilespmem:v62+s30+$0x0] =	vst.idx.msk $0xffff, v40  }
0x1e9: {  	v31 =	vld [tilespmem:s20+$0xFFFFFFE0];
	v18 =	vmul.f32 v58, v18;
	v17 =	vor.u32 $0x380, v23;
	v61 =	vmul.f32 v45, v20;
	[tilespmem:v15+s30+$0x0] =	vst.idx.msk $0xffff, v7  }
0x1ea: {  	v19 =	vld [tilespmem:s19+$0xFFFFFFE0];
	v16 =	vor.u32 $0x80, v30;
	v62 =	vor.u32 $0x300, v38;
	[tilespmem:v44+s30+$0x0] =	vst.idx.msk $0xffff, v25;
	v25 =	vadd.f32 v49, v35  }
0x1eb: {  	v22 =	vld [tilespmem:s4+$0xFFFFFFE0];
	v38 =	vor.u32 $0x380, v38;
	v49 =	vmul.f32 v58, v20;
	v41 =	vadd.f32 v48, v61;
	[tilespmem:v14+s30+$0x0] =	vst.idx.msk $0xffff, v6  }
0x1ec: {  	v9 =	vld.idx.msk [tilespmem:v52+s23+$0x0], $0xffff;
	v20 =	vmul.f32 v57, v20;
	v57 =	vor.u32 $0x280, v24;
	v58 =	vor.u32 $0x300, v23;
	[tilespmem:v51+s30+$0x0] =	vst.idx.msk $0xffff, v39  }
0x1ed: {  	v6 =	vld.idx.msk [tilespmem:v28+s23+$0x0], $0xffff;
	v28 =	vor.u32 $0x200, v30;
	v44 =	vor.u32 $0x280, v30;
	v61 =	vshll.u32 v33, $0x3;
	[tilespmem:v13+s30+$0x0] =	vst.idx.msk $0xffff, v5  }
0x1ee: {  	v8 =	vld.idx.msk [tilespmem:v53+s23+$0x0], $0xffff;
	v51 =	vor.u32 $0x80, v23;
	v37 =	vand.u32 $0xFFFFFC00, v61;
	[tilespmem:v59+s30+$0x0] =	vst.idx.msk $0xffff, v25;
	v25 =	vor.u32 v34, v27  }
0x1ef: {  	v5 =	vld.idx.msk [tilespmem:v54+s23+$0x0], $0xffff;
	v27 =	vsub.f32 v63, v49;
	v18 =	vadd.f32 v18, v20;
	v20 =	vor.u32 $0x100, v24  }
0x1f0: {  	v14 =	vld.idx.msk [tilespmem:v55+s23+$0x0], $0xffff;
	v59 =	vor.u32 $0x300, v24;
	v63 =	vshll.u32 v32, $0x3;
	[tilespmem:v60+s30+$0x0] =	vst.idx.msk $0xffff, v50;
	v34 =	vor.u32 $0x100, v25  }
0x1f1: {  	v17 =	vld.idx.msk [tilespmem:v17+s23+$0x0], $0xffff;
	v15 =	vor.u32 $0x180, v25;
	v42 =	vor.u32 $0x200, v25;
	v43 =	vor.u32 $0x280, v25;
	[tilespmem:v62+s30+$0x0] =	vst.idx.msk $0xffff, v41  }
0x1f2: {  	v35 =	vor.u32 $0x300, v25;
	v60 =	vld.idx.msk [tilespmem:v56+s23+$0x0], $0xffff;
	v52 =	vand.u32 $0xFFFFFC00, v63;
	v41 =	vor.u32 $0x100, v30;
	[tilespmem:v36+s30+$0x0] =	vst.idx.msk $0xffff, v27  }
0x1f3: {  	v27 =	vor.u32 $0x200, v23;
	v48 =	vmul.f32 v8, v19;
	v8 =	vmul.f32 v8, v22;
	v39 =	vld.idx.msk [tilespmem:v58+s23+$0x0], $0xffff  }
0x1f4: {  	[tilespmem:v38+s30+$0x0] =	vst.idx.msk $0xffff, v18;
	v18 =	vld.idx.msk [tilespmem:v51+s23+$0x0], $0xffff;
	v51 =	vmul.f32 v6, v19;
	v6 =	vmul.f32 v6, v22  }
0x1f5: {  	[tilespmem:v12+s30+$0x0] =	vst.idx.msk $0xffff, v0;
	v62 =	vshll.u32 v29, $0x3;
	v55 =	vmul.f32 v14, v22;
	v56 =	vmul.f32 v14, v19  }
0x1f6: {  	v23 =	vor.u32 $0x380, v24;
	v38 =	vld.idx.msk [tilespmem:v57+s23+$0x0], $0xffff;
	v63 =	vmul.f32 v17, v19;
	v17 =	vmul.f32 v17, v22  }
0x1f7: {  	v24 =	vor.u32 $0x80, v25;
	v7 =	vld.idx.msk [tilespmem:v20+s23+$0x0], $0xffff;
	v57 =	vmul.f32 v60, v19;
	v36 =	vmul.f32 v60, v22  }
0x1f8: {  	v50 =	vand.u32 $0xFFFFFC00, v62;
	v4 =	vld.idx.msk [tilespmem:v27+s23+$0x0], $0xffff;
	v27 =	vmul.f32 v9, v22;
	v9 =	vmul.f32 v9, v19  }
0x1f9: {  	v58 =	vand.u32 $0x7F, v31;
	v40 =	vld.idx.msk [tilespmem:v59+s23+$0x0], $0xffff;
	v60 =	vmul.f32 v39, v19;
	v39 =	vmul.f32 v39, v22  }
0x1fa: {  	v62 =	vand.u32 $0x7F, v29;
	v59 =	vld.idx.msk [tilespmem:v16+s23+$0x0], $0xffff;
	v12 =	vmul.f32 v18, v19;
	v13 =	vmul.f32 v18, v22  }
0x1fb: {  	v34 =	vld.idx.msk [tilespmem:v34+s23+$0x0], $0xffff;
	v18 =	vshll.u32 v31, $0x3;
	v31 =	vmul.f32 v38, v22;
	v38 =	vmul.f32 v38, v19  }
0x1fc: {  	v20 =	vor.u32 $0x180, v30;
	v41 =	vld.idx.msk [tilespmem:v41+s23+$0x0], $0xffff;
	v49 =	vmul.f32 v7, v22;
	v7 =	vmul.f32 v7, v19  }
0x1fd: {  	v29 =	vld.idx.msk [tilespmem:v15+s23+$0x0], $0xffff;
	v53 =	vand.u32 $0xFFFFFC00, v18;
	v18 =	vmul.f32 v5, v22;
	v5 =	vmul.f32 v5, v19  }
0x1fe: {  	v23 =	vld.idx.msk [tilespmem:v23+s23+$0x0], $0xffff;
	v61 =	vmul.f32 v40, v22;
	v40 =	vmul.f32 v40, v19;
	v14 =	vsub.f32 v12, v27  }
0x1ff: {  	v24 =	vld.idx.msk [tilespmem:v24+s23+$0x0], $0xffff;
	v15 =	vadd.f32 v9, v13;
	v48 =	vsub.f32 v48, v49;
	v49 =	vmul.f32 v59, v26  }
0x200: {  	v59 =	vmul.f32 v59, v21;
	v12 =	vadd.f32 v7, v8;
	v7 =	vld.idx.msk [tilespmem:v43+s23+$0x0], $0xffff;
	v8 =	vmul.f32 v34, v21  }
0x201: {  	v34 =	vmul.f32 v34, v26;
	v13 =	vsub.f32 v51, v18;
	v43 =	vld.idx.msk [tilespmem:v44+s23+$0x0], $0xffff;
	v44 =	vmul.f32 v41, v26  }
0x202: {  	v41 =	vmul.f32 v41, v21;
	v18 =	vadd.f32 v5, v6;
	v6 =	vmul.f32 v29, v21  }
0x203: {  	v5 =	vld.idx.msk [tilespmem:v35+s23+$0x0], $0xffff;
	v35 =	vmul.f32 v29, v26;
	v29 =	vsub.f32 v60, v61;
	v61 =	vmul.f32 v10, v19  }
0x204: {  	v45 =	vor.u32 $0x300, v30;
	v9 =	vld.idx.msk [tilespmem:v42+s23+$0x0], $0xffff;
	v54 =	vmul.f32 v4, v19;
	v4 =	vmul.f32 v4, v22  }
0x205: {  	[tilespmem:$0x1FF90] =	vst v1;
	v0 =	vand.u32 $0x7F, v32;
	v32 =	vmul.f32 v23, v22;
	v1 =	vmul.f32 v23, v19  }
0x206: {  	v46 =	vor.u32 $0x380, v25;
	v23 =	vld.idx.msk [tilespmem:v20+s23+$0x0], $0xffff;
	v42 =	vmul.f32 v24, v21;
	v16 =	vmul.f32 v24, v26  }
0x207: {  	v24 =	vld.idx.msk [tilespmem:v28+s23+$0x0], $0xffff;
	v28 =	vadd.f32 v38, v36;
	v32 =	vsub.f32 v63, v32;
	v63 =	vmul.f32 v11, v22  }
0x208: {  	v36 =	vld.idx.msk [tilespmem:v25+s23+$0x0], $0xffff;
	v25 =	vadd.f32 v59, v16;
	v16 =	vmul.f32 v11, v19;
	v59 =	vmul.f32 v10, v22  }
0x209: {  	v45 =	vld.idx.msk [tilespmem:v45+s23+$0x0], $0xffff;
	v20 =	vsub.f32 v54, v55;
	v55 =	vmul.f32 v9, v26;
	v38 =	vmul.f32 v7, v21  }
0x20a: {  	v27 =	vsub.f32 v57, v31;
	v57 =	vmul.f32 v7, v26;
	v7 =	vld.idx.msk [tilespmem:v30+s23+$0x0], $0xffff;
	v60 =	vmul.f32 v43, v26  }
0x20b: {  	v51 =	vmul.f32 v23, v26;
	v54 =	vmul.f32 v23, v21;
	v23 =	vadd.f32 v56, v4;
	v4 =	vld.idx.msk [tilespmem:v46+s23+$0x0], $0xffff  }
0x20c: {  	v43 =	vmul.f32 v43, v21;
	v46 =	vmul.f32 v9, v21;
	v9 =	vld.idx.msk [tilespmem:v47+s23+$0x0], $0xffff  }
0x20d: {  	v31 =	vadd.f32 v40, v39;
	v39 =	vmul.f32 v5, v21;
	v40 =	vmul.f32 v5, v26  }
0x20e: {  	v19 =	vsub.f32 v8, v44;
	v5 =	vmul.f32 v45, v26;
	v45 =	vmul.f32 v45, v21  }
0x20f: {  	v11 =	vadd.f32 v41, v34;
	v47 =	vmul.f32 v24, v26;
	v56 =	vmul.f32 v24, v21  }
0x210: {  	v30 =	vadd.f32 v1, v17;
	v44 =	vmul.f32 v36, v21;
	v41 =	vmul.f32 v7, v21  }
0x211: {  	v24 =	vsub.f32 v42, v49;
	v1 =	vmul.f32 v4, v21;
	v49 =	vmul.f32 v9, v21  }
0x212: {  	v21 =	vsub.f32 v6, v51;
	v51 =	vor.u32 v58, v53;
	v58 =	vsub.f32 v61, v63;
	v61 =	vld [tilespmem:$0x1FF80];
	_ =	sdelay $0x1  }
0x213: {  	v33 =	vand.u32 $0x7F, v33;
	v22 =	vor.u32 v0, v52;
	v16 =	vadd.f32 v16, v59  }
0x214: {  	v36 =	vmul.f32 v36, v26;
	v5 =	vsub.f32 v39, v5;
	v0 =	vadd.f32 v45, v40  }
0x215: {  	v10 =	vadd.f32 v54, v35;
	v35 =	vor.u32 v33, v37;
	v17 =	vmul.f32 v4, v26  }
0x216: {  	v4 =	vmul.f32 v7, v26;
	v7 =	vsub.f32 v38, v60;
	v60 =	vor.u32 $0x80, v51;
	[tilespmem:v3+s30+$0x0] =	vst.idx.msk $0xffff, v61;
	v3 =	vld [tilespmem:$0x1FF90]  }
0x217: {  	v42 =	vmul.f32 v9, v26;
	v26 =	vor.u32 v62, v50;
	v62 =	vor.u32 $0x80, v35  }
0x218: {  	v8 =	vadd.f32 v56, v55;
	v39 =	vor.u32 $0x380, v35;
	v63 =	vor.u32 $0x100, v51  }
0x219: {  	s5 =	sadd.s32 $0x3, s5;
	v9 =	vsub.f32 v46, v47;
	v6 =	vadd.f32 v43, v57;
	v46 =	vor.u32 $0x200, v35;
	[tilespmem:v51+s30+$0x0] =	vst.idx.msk $0xffff, v58  }
0x21a: {  	p0 =	slt.u32 s5, $0x3C;
	v38 =	vor.u32 $0x80, v22;
	v33 =	vadd.f32 v41, v36;
	v47 =	vor.u32 $0x180, v51;
	[tilespmem:v35+s30+$0x0] =	vst.idx.msk $0xffff, v16  }
.Ltmp6:
0x21b: {  	v45 =	vor.u32 $0x200, v51;
	v43 =	vor.u32 $0x300, v51;
	v41 =	vor.u32 $0x300, v35;
	[tilespmem:v60+s30+$0x0] =	vst.idx.msk $0xffff, v14;
	(pc) =	sbr.rel @p0 .LBB2_9-.Ltmp6, $4  }
0x21c: {  	v40 =	vor.u32 $0x380, v51;
	v34 =	vor.u32 $0x80, v26;
	v1 =	vsub.f32 v1, v42;
	[tilespmem:v62+s30+$0x0] =	vst.idx.msk $0xffff, v15  }
0x21d: {  	v37 =	vor.u32 $0x100, v26;
	v17 =	vadd.f32 v49, v17;
	v4 =	vsub.f32 v44, v4;
	[tilespmem:v63+s30+$0x0] =	vst.idx.msk $0xffff, v48  }
0x21e: {  	v36 =	vor.u32 $0x100, v22;
	v44 =	vor.u32 $0x280, v51;
	v42 =	vor.u32 $0x280, v35;
	[tilespmem:v3+s30+$0x0] =	vst.idx.msk $0xffff, v2  }
0x21f: {  	s6 =	sadd.s32 $0x30, s6;
	v50 =	vmovc v1;
	v52 =	vmovc v17;
	v3 =	vor.u32 $0x100, v35;
	v2 =	vor.u32 $0x180, v35;
	v35 =	vor.u32 $0x180, v26;
	[tilespmem:v26+s30+$0x0] =	vst.idx.msk $0xffff, v4  }
0x220: {  	_ =	sdelay $0x3  }
0x221: {  	[tilespmem:v3+s30+$0x0] =	vst.idx.msk $0xffff, v12  }
0x222: {  	[tilespmem:v22+s30+$0x0] =	vst.idx.msk $0xffff, v33  }
0x223: {  	[tilespmem:v47+s30+$0x0] =	vst.idx.msk $0xffff, v13  }
0x224: {  	[tilespmem:v34+s30+$0x0] =	vst.idx.msk $0xffff, v24  }
0x225: {  	[tilespmem:v2+s30+$0x0] =	vst.idx.msk $0xffff, v18  }
0x226: {  	[tilespmem:v38+s30+$0x0] =	vst.idx.msk $0xffff, v25  }
0x227: {  	[tilespmem:v45+s30+$0x0] =	vst.idx.msk $0xffff, v20  }
0x228: {  	[tilespmem:v37+s30+$0x0] =	vst.idx.msk $0xffff, v19  }
0x229: {  	[tilespmem:v46+s30+$0x0] =	vst.idx.msk $0xffff, v23  }
0x22a: {  	[tilespmem:v36+s30+$0x0] =	vst.idx.msk $0xffff, v11  }
0x22b: {  	[tilespmem:v44+s30+$0x0] =	vst.idx.msk $0xffff, v27  }
0x22c: {  	[tilespmem:v35+s30+$0x0] =	vst.idx.msk $0xffff, v21  }
0x22d: {  	v1 =	vor.u32 $0x180, v22;
	[tilespmem:v42+s30+$0x0] =	vst.idx.msk $0xffff, v28  }
0x22e: {  	v34 =	vor.u32 $0x200, v26;
	[tilespmem:v43+s30+$0x0] =	vst.idx.msk $0xffff, v29  }
0x22f: {  	v38 =	vor.u32 $0x200, v22;
	[tilespmem:v41+s30+$0x0] =	vst.idx.msk $0xffff, v31  }
0x230: {  	v4 =	vor.u32 $0x280, v26;
	[tilespmem:v40+s30+$0x0] =	vst.idx.msk $0xffff, v32  }
0x231: {  	[tilespmem:v39+s30+$0x0] =	vst.idx.msk $0xffff, v30;
	v39 =	vor.u32 $0x280, v22  }
0x232: {  	[tilespmem:v1+s30+$0x0] =	vst.idx.msk $0xffff, v10;
	v40 =	vor.u32 $0x300, v26  }
0x233: {  	[tilespmem:v34+s30+$0x0] =	vst.idx.msk $0xffff, v9;
	v41 =	vor.u32 $0x300, v22  }
0x234: {  	v42 =	vor.u32 $0x380, v26;
	[tilespmem:v38+s30+$0x0] =	vst.idx.msk $0xffff, v8  }
0x235: {  	v43 =	vor.u32 $0x380, v22;
	[tilespmem:v4+s30+$0x0] =	vst.idx.msk $0xffff, v7  }
0x236: {  	[tilespmem:v39+s30+$0x0] =	vst.idx.msk $0xffff, v6  }
0x237: {  	[tilespmem:v40+s30+$0x0] =	vst.idx.msk $0xffff, v5  }
0x238: {  	[tilespmem:v41+s30+$0x0] =	vst.idx.msk $0xffff, v0  }
0x239: {  	[tilespmem:v42+s30+$0x0] =	vst.idx.msk $0xffff, v50  }
0x23a: {  	[tilespmem:v43+s30+$0x0] =	vst.idx.msk $0xffff, v52  }
0x23b: {  	v0 =	vld [tilespmem:$0x3F0]  }
0x23c: {  	v1 =	vld [tilespmem:$0x7F0];
	_ =	sdelay $0x3  }
0x23d: {  	v44 =	vshll.u32 v0, $0x3  }
0x23e: {  	v0 =	vand.u32 $0x7F, v0;
	v45 =	vshll.u32 v1, $0x3;
	v2 =	vand.u32 $0xFFFFFC00, v44  }
0x23f: {  	v1 =	vand.u32 $0x7F, v1;
	v46 =	vand.u32 $0xFFFFFC00, v45;
	v0 =	vor.u32 v0, v2  }
0x240: {  	v47 =	vld [tilespmem:$0xBF0];
	v1 =	vor.u32 v1, v46  }
0x241: {  	v48 =	vld [tilespmem:$0xFF0];
	v49 =	vor.u32 $0x80, v0  }
0x242: {  	v5 =	vld [tilespmem:$0x13F0];
	v50 =	vor.u32 $0x80, v1  }
0x243: {  	v7 =	vld [tilespmem:$0x17F0];
	v51 =	vor.u32 $0x100, v0  }
0x244: {  	v52 =	vor.u32 $0x100, v1;
	v9 =	vld.idx.msk [tilespmem:v0+s23+$0x0], $0xffff  }
0x245: {  	v59 =	vshll.u32 v47, $0x3;
	v53 =	vor.u32 $0x180, v0;
	v11 =	vld.idx.msk [tilespmem:v1+s23+$0x0], $0xffff  }
0x246: {  	v3 =	vand.u32 $0x7F, v47;
	v22 =	vand.u32 $0xFFFFFC00, v59;
	v54 =	vor.u32 $0x180, v1;
	v4 =	vld.idx.msk [tilespmem:v49+s23+$0x0], $0xffff  }
0x247: {  	v60 =	vand.u32 $0x7F, v48;
	v3 =	vor.u32 v3, v22;
	v14 =	vor.u32 $0x200, v0;
	v6 =	vld.idx.msk [tilespmem:v50+s23+$0x0], $0xffff  }
0x248: {  	v2 =	vshll.u32 v48, $0x3;
	v15 =	vor.u32 $0x200, v1;
	v16 =	vor.u32 $0x280, v0;
	v8 =	vld.idx.msk [tilespmem:v51+s23+$0x0], $0xffff  }
0x249: {  	v17 =	vor.u32 $0x280, v1;
	v55 =	vor.u32 $0x300, v0;
	v56 =	vor.u32 $0x300, v1;
	v10 =	vld.idx.msk [tilespmem:v52+s23+$0x0], $0xffff  }
0x24a: {  	v2 =	vand.u32 $0xFFFFFC00, v2;
	v12 =	vld.idx.msk [tilespmem:v53+s23+$0x0], $0xffff;
	v57 =	vmul.f32 v9, v5;
	v58 =	vmul.f32 v11, v7  }
0x24b: {  	v30 =	vor.u32 $0x80, v3;
	v13 =	vld.idx.msk [tilespmem:v54+s23+$0x0], $0xffff;
	v11 =	vmul.f32 v11, v5;
	v9 =	vmul.f32 v9, v7  }
0x24c: {  	v32 =	vor.u32 $0x100, v3;
	v14 =	vld.idx.msk [tilespmem:v14+s23+$0x0], $0xffff;
	v61 =	vmul.f32 v4, v5;
	v62 =	vmul.f32 v6, v7  }
0x24d: {  	v2 =	vor.u32 v60, v2;
	v15 =	vld.idx.msk [tilespmem:v15+s23+$0x0], $0xffff;
	v6 =	vmul.f32 v6, v5;
	v4 =	vmul.f32 v4, v7  }
0x24e: {  	v0 =	vor.u32 $0x380, v0;
	v63 =	vmul.f32 v8, v5;
	v28 =	vmul.f32 v10, v7  }
0x24f: {  	v1 =	vor.u32 $0x380, v1;
	v16 =	vld.idx.msk [tilespmem:v16+s23+$0x0], $0xffff;
	v10 =	vmul.f32 v10, v5;
	v8 =	vmul.f32 v8, v7  }
0x250: {  	v31 =	vor.u32 $0x80, v2;
	v17 =	vld.idx.msk [tilespmem:v17+s23+$0x0], $0xffff;
	v34 =	vmul.f32 v12, v5;
	v35 =	vmul.f32 v13, v7  }
0x251: {  	v33 =	vor.u32 $0x100, v2;
	v18 =	vld.idx.msk [tilespmem:v55+s23+$0x0], $0xffff;
	v13 =	vmul.f32 v13, v5;
	v12 =	vmul.f32 v12, v7  }
0x252: {  	v19 =	vld.idx.msk [tilespmem:v56+s23+$0x0], $0xffff;
	v38 =	vmul.f32 v14, v5;
	v39 =	vmul.f32 v15, v7;
	v20 =	vsub.f32 v57, v58  }
0x253: {  	v0 =	vld.idx.msk [tilespmem:v0+s23+$0x0], $0xffff;
	v45 =	vmul.f32 v15, v5;
	v46 =	vmul.f32 v14, v7;
	v9 =	vadd.f32 v11, v9  }
0x254: {  	v1 =	vld.idx.msk [tilespmem:v1+s23+$0x0], $0xffff;
	v48 =	vmul.f32 v16, v5;
	v29 =	vsub.f32 v61, v62;
	[tilespmem:v3+s30+$0x0] =	vst.idx.msk $0xffff, v20  }
0x255: {  	v36 =	vor.u32 $0x180, v3;
	v49 =	vmul.f32 v17, v7;
	v4 =	vadd.f32 v6, v4;
	[tilespmem:v2+s30+$0x0] =	vst.idx.msk $0xffff, v9  }
0x256: {  	v37 =	vor.u32 $0x180, v2;
	v51 =	vmul.f32 v17, v5;
	v21 =	vsub.f32 v63, v28;
	[tilespmem:v30+s30+$0x0] =	vst.idx.msk $0xffff, v29  }
0x257: {  	v44 =	vor.u32 $0x200, v3;
	v52 =	vmul.f32 v16, v7;
	v40 =	vadd.f32 v10, v8;
	[tilespmem:v31+s30+$0x0] =	vst.idx.msk $0xffff, v4  }
0x258: {  	v47 =	vor.u32 $0x200, v2;
	v54 =	vmul.f32 v18, v5;
	v41 =	vsub.f32 v34, v35;
	[tilespmem:v32+s30+$0x0] =	vst.idx.msk $0xffff, v21  }
0x259: {  	v50 =	vor.u32 $0x280, v3;
	v55 =	vmul.f32 v19, v7;
	v42 =	vadd.f32 v13, v12;
	[tilespmem:v33+s30+$0x0] =	vst.idx.msk $0xffff, v40  }
0x25a: {  	v53 =	vor.u32 $0x280, v2;
	v60 =	vmul.f32 v19, v5;
	v43 =	vsub.f32 v38, v39;
	[tilespmem:v36+s30+$0x0] =	vst.idx.msk $0xffff, v41  }
0x25b: {  	v56 =	vor.u32 $0x300, v3;
	v6 =	vsub.f32 v48, v49;
	v4 =	vadd.f32 v45, v46;
	[tilespmem:v37+s30+$0x0] =	vst.idx.msk $0xffff, v42  }
0x25c: {  	v59 =	vor.u32 $0x300, v2;
	v57 =	vadd.f32 v51, v52;
	v58 =	vsub.f32 v54, v55;
	[tilespmem:v44+s30+$0x0] =	vst.idx.msk $0xffff, v43  }
0x25d: {  	v61 =	vmul.f32 v18, v7;
	v3 =	vor.u32 $0x380, v3;
	v62 =	vmul.f32 v0, v5;
	[tilespmem:v47+s30+$0x0] =	vst.idx.msk $0xffff, v4  }
0x25e: {  	v63 =	vmul.f32 v1, v7;
	v2 =	vor.u32 $0x380, v2;
	v1 =	vmul.f32 v1, v5;
	[tilespmem:v50+s30+$0x0] =	vst.idx.msk $0xffff, v6  }
0x25f: {  	p0 =	seq.s32 s0, $0x1F;
	v0 =	vmul.f32 v0, v7;
	v6 =	vadd.f32 v60, v61;
	[tilespmem:v53+s30+$0x0] =	vst.idx.msk $0xffff, v57  }
.Ltmp7:
0x260: {  	v4 =	vsub.f32 v62, v63;
	[tilespmem:v56+s30+$0x0] =	vst.idx.msk $0xffff, v58;
	(pc) =	sbr.rel @p0 .LBB2_12-.Ltmp7, $4  }
0x261: {  	v0 =	vadd.f32 v1, v0;
	[tilespmem:v59+s30+$0x0] =	vst.idx.msk $0xffff, v6  }
0x262: {  	[tilespmem:v3+s30+$0x0] =	vst.idx.msk $0xffff, v4  }
0x263: {  	s4 =	sadd.s32 s16, s17;
	[tilespmem:v2+s30+$0x0] =	vst.idx.msk $0xffff, v0  }
0x264: {  	[hbm4b:s4+s2] =	stream.linear.scatter [tilespmem:s30], [sflag:$0x4], $0x4000, $0x38;
	[tilespmem:$0x11800] =	vst v63  }
.Ltmp8:
0x265: {  	(pc) =	sbr.rel .LBB2_2-.Ltmp8, $4  }
0x266: {  	s3 =	sadd.s32 s3, s14  }
0x267: {  	s3 =	sshll.u32 s3, $0xB  }
0x268: {  	s0 =	sadd.s32 $0x1, s0;
	s3 =	sadd.s32 s1, s3  }
0x269: {  	[tilespmem:s23], [sflag:$0x2] =	stream.linear.gather [hbm4b:s3+s2], $0x4000, $0x38;
	[tilespmem:$0x11800] =	vst v63  }
.LBB2_13:
0x26a: {  	_ =	sfence.sel $0x180000  }
0x26b: {  	[bflag:$0x0] =	sbarrier.arrive $0xFFFF  }
0x26c: {  	_ =	strace $0x90000047  }
0x26d: {  	s0 =	stileid.u32;
	[bflag:$0x2] =	sbarrier.arrive $0xFFFF  }
0x26e: {  	p0 =	sne.s32 s0, $0x0;
	s0 =	rddreg [dreg:$0x3]  }
0x26f: {  	s0 =	sadd.s32 @!p0 $0x100000, s0  }
0x270: {  	[sflag:s0] =	ssyncadd.tile.s32 @!p0 $0x1;
	_ =	shalt  }
.Lfunc_end2:
_tile_overlayer_lowered:
.L_overlay_start_2:
0x271: {  	(tag) =	ssettag $0x2  }
0x272: {  	s0 =	rddreg [dreg:$0x0];
	s2 =	stileid.u32  }
0x273: {  	s1 =	rddreg [dreg:$0x1];
	p0 =	sne.s32 s2, $0x0  }
0x274: {  	s3 =	rddreg [dreg:$0x2];
	[bflag:$0x3] =	sbarrier.arrive $0xFFFF;
	s2 =	simm.s32 @!p0 $0x1C05  }
0x275: {  	[timem:s3], [sflag:s2] =	dma.local @!p0 [hbm:s0], s1  }
0x276: {  	s0 =	simm.s32 @!p0 $0x5  }
0x277: {  	_ =	swait.ge @!p0 [sflag:s0], s1  }
0x278: {  	s1 =	ssub.s32 @!p0 $0x0, s1;
	[sflag:s0] =	ssyncset.done @!p0 $0x0  }
0x279: {  	[sflag:s0] =	ssyncadd.s32 @!p0 s1  }
0x27a: {  	[bflag:$0x3] =	sbarrier.arrive $0xFFFF  }
0x27b: {  	_ =	shalt  }

</sc_bundles>
